<compile_context>
chip_gen: v7x
topology: tpu7x:2x2x1
jax: 0.10.2.dev20260603
libtpu: 0.0.44.dev20260713+nightly
codegen_flags: <defaults>
</compile_context>

<pallas_src>
import functools

import jax
import jax.numpy as jnp
from jax import lax
from jax.experimental import pallas as pl
from jax.experimental.pallas import tpu as pltpu
from jax.experimental.pallas import tpu_sc as plsc

N, E, D = 10000, 320000, 128

NC = 2
NS = 16
NW = NC * NS
NPAD = 10240
EPW = E // NW
CHUNK = 40
NCHUNK = EPW // CHUNK
RPT = NPAD // NS

DEG_CHUNK = 2000
NDEG_CHUNK = EPW // DEG_CHUNK

_MESH = plsc.VectorSubcoreMesh(core_axis_name="c", subcore_axis_name="s")


@functools.partial(
    pl.kernel,
    mesh=_MESH,
    out_type=jax.ShapeDtypeStruct((NC, NPAD), jnp.float32),
    scratch_types=[
        pltpu.VMEM((DEG_CHUNK,), jnp.int32),
        pltpu.VMEM((DEG_CHUNK,), jnp.float32),
        pltpu.VMEM((RPT,), jnp.float32),
        pltpu.VMEM_SHARED((NPAD,), jnp.float32),
    ],
)
def _sc_degree(e_hbm, deg_hbm, dst_v, ones_v, zero_v, acc):
    cid = lax.axis_index("c")
    sid = lax.axis_index("s")
    wid = sid * NC + cid

    def fill(i, _):
        ones_v[pl.ds(i * 16, 16)] = jnp.full((16,), 1.0, jnp.float32)
        zero_v[pl.ds((i % (RPT // 16)) * 16, 16)] = jnp.zeros((16,), jnp.float32)
        return 0

    lax.fori_loop(0, DEG_CHUNK // 16, fill, 0)

    row0 = pl.multiple_of(sid * RPT, 8)
    pltpu.sync_copy(zero_v, acc.at[pl.ds(row0, RPT)])
    plsc.subcore_barrier()

    base = wid * EPW

    def body(j, _):
        off = pl.multiple_of(E + base + j * DEG_CHUNK, 8)
        pltpu.sync_copy(e_hbm.at[pl.ds(off, DEG_CHUNK)], dst_v)
        pltpu.sync_copy(ones_v, acc.at[dst_v], add=True)
        return 0

    lax.fori_loop(0, NDEG_CHUNK, body, 0)

    plsc.subcore_barrier()
    pltpu.sync_copy(acc.at[pl.ds(row0, RPT)], deg_hbm.at[cid, pl.ds(row0, RPT)])


RING = 5
NBATCH = NCHUNK // RING


@functools.partial(
    pl.kernel,
    mesh=_MESH,
    out_type=jax.ShapeDtypeStruct((NC, NPAD, D), jnp.float32),
    scratch_types=[
        pltpu.VMEM((EPW,), jnp.int32),
        pltpu.VMEM((EPW,), jnp.int32),
        pltpu.VMEM((CHUNK, D), jnp.float32),
        pltpu.VMEM((CHUNK, D), jnp.float32),
        pltpu.VMEM((CHUNK, D), jnp.float32),
        pltpu.VMEM((CHUNK, D), jnp.float32),
        pltpu.VMEM((CHUNK, D), jnp.float32),
        pltpu.VMEM_SHARED((NPAD, D), jnp.float32),
        pltpu.SemaphoreType.DMA,
        pltpu.SemaphoreType.DMA,
        pltpu.SemaphoreType.DMA,
        pltpu.SemaphoreType.DMA,
        pltpu.SemaphoreType.DMA,
        pltpu.SemaphoreType.DMA,
        pltpu.SemaphoreType.DMA,
        pltpu.SemaphoreType.DMA,
        pltpu.SemaphoreType.DMA,
        pltpu.SemaphoreType.DMA,
    ],
)
def _sc_aggregate(g_hbm, e_hbm, out_hbm,
                  srcs, dsts, b0, b1, b2, b3, b4, acc,
                  sg0, sg1, sg2, sg3, sg4, ss0, ss1, ss2, ss3, ss4):
    cid = lax.axis_index("c")
    sid = lax.axis_index("s")
    wid = sid * NC + cid
    bufs = (b0, b1, b2, b3, b4)
    semg = (sg0, sg1, sg2, sg3, sg4)
    sems = (ss0, ss1, ss2, ss3, ss4)

    def zfill(r, _):
        for c in range(D // 16):
            b0[r, pl.ds(c * 16, 16)] = jnp.zeros((16,), jnp.float32)
        return 0

    lax.fori_loop(0, CHUNK, zfill, 0)
    row0 = pl.multiple_of(sid * RPT, 8)
    for m in range(RPT // CHUNK):
        pltpu.sync_copy(b0, acc.at[pl.ds(row0 + m * CHUNK, CHUNK)])

    base = pl.multiple_of(wid * EPW, 8)
    pltpu.sync_copy(e_hbm.at[pl.ds(base, EPW)], srcs)
    base2 = pl.multiple_of(E + wid * EPW, 8)
    pltpu.sync_copy(e_hbm.at[pl.ds(base2, EPW)], dsts)
    plsc.subcore_barrier()

    def gissue(c, k):
        off = pl.multiple_of(c * CHUNK, 8)
        pltpu.async_copy(g_hbm.at[srcs.at[pl.ds(off, CHUNK)]], bufs[k],
                         semg[k])

    def gwait(k):
        pltpu.make_async_copy(g_hbm.at[srcs.at[pl.ds(0, CHUNK)]], bufs[k],
                              semg[k]).wait()

    def sissue(c, k):
        off = pl.multiple_of(c * CHUNK, 8)
        pltpu.async_copy(bufs[k], acc.at[dsts.at[pl.ds(off, CHUNK)]],
                         sems[k], add=True)

    def swait(k):
        pltpu.make_async_copy(bufs[k], acc.at[dsts.at[pl.ds(0, CHUNK)]],
                              sems[k]).wait()

    LAG = 3
    for k in range(RING):
        gissue(k, k)
    for j in range(RING - LAG):
        gwait(j)
        sissue(j, j)

    def body(t, _):
        for k in range(RING):
            c = t * RING + k
            swait(k)
            gissue(c, k)
            c2 = c - LAG
            k2 = (k + RING - LAG) % RING
            gwait(k2)
            sissue(c2, k2)
        return 0

    lax.fori_loop(1, NBATCH, body, 0)

    for c2 in range(NCHUNK - LAG, NCHUNK):
        k2 = c2 % RING
        gwait(k2)
        sissue(c2, k2)
    for m in range(NCHUNK - RING, NCHUNK):
        swait(m % RING)

    plsc.subcore_barrier()
    pltpu.sync_copy(acc.at[pl.ds(row0, RPT)], out_hbm.at[cid, pl.ds(row0, RPT)])


_RB = 1024


def _prep_body(x_ref, w_ref, deg_ref, g_ref):
    h = lax.dot_general(
        x_ref[...], w_ref[...], (((1,), (1,)), ((), ())),
        preferred_element_type=jnp.float32)
    deg = deg_ref[0, :] + deg_ref[1, :] + 1.0
    dis = lax.rsqrt(deg)
    g_ref[...] = h * dis[:, None]


_prep = pl.pallas_call(
    _prep_body,
    grid=(pl.cdiv(N, _RB),),
    in_specs=[
        pl.BlockSpec((_RB, D), lambda i: (i, 0)),
        pl.BlockSpec((D, D), lambda i: (0, 0)),
        pl.BlockSpec((2, _RB), lambda i: (0, i)),
    ],
    out_specs=pl.BlockSpec((_RB, D), lambda i: (i, 0)),
    out_shape=jax.ShapeDtypeStruct((N, D), jnp.float32),
)


def _final_body(p_ref, g_ref, deg_ref, b_ref, o_ref):
    deg = deg_ref[0, :] + deg_ref[1, :] + 1.0
    dis = lax.rsqrt(deg)
    s = p_ref[0] + p_ref[1] + g_ref[...]
    o_ref[...] = s * dis[:, None] + b_ref[...][None, :]


_final = pl.pallas_call(
    _final_body,
    grid=(pl.cdiv(N, _RB),),
    in_specs=[
        pl.BlockSpec((2, _RB, D), lambda i: (0, i, 0)),
        pl.BlockSpec((_RB, D), lambda i: (i, 0)),
        pl.BlockSpec((2, _RB), lambda i: (0, i)),
        pl.BlockSpec((D,), lambda i: (0,)),
    ],
    out_specs=pl.BlockSpec((_RB, D), lambda i: (i, 0)),
    out_shape=jax.ShapeDtypeStruct((N, D), jnp.float32),
)


def kernel(x, edge_index, W, b):
    ei = edge_index.reshape(2 * E)
    deg_p = _sc_degree(ei)
    g = _prep(x, W, deg_p)
    p = _sc_aggregate(g, ei)
    return _final(p, g, deg_p, b)

# --- scband reference (transcript-rebuilt; emitter-appended) ---
"""Pipeline reference for scband-linear-encoder-24584392802336 (READ-ONLY COPY).

The authoritative reference and input builder live on the scoring server;
editing this copy changes nothing except your own understanding.
"""

import jax, jax.numpy as jnp
import numpy as np

N, E, D_IN, D_OUT = 10000, 320000, 128, 128

def setup_inputs(seed: int = 0):
    key = jax.random.key(seed)
    k1, k2, k3 = jax.random.split(key, 3)
    x = jax.random.normal(k1, (N, D_IN), dtype=jnp.float32)
    edge_index = jax.random.randint(k2, (2, E), 0, N, dtype=jnp.int32)
    W = jax.random.normal(k3, (D_OUT, D_IN), dtype=jnp.float32) * (1.0 / np.sqrt(D_IN))
    b = jnp.zeros((D_OUT,), dtype=jnp.float32)
    return {"x": x, "edge_index": edge_index, "W": W, "b": b}

def reference(x, edge_index, W, b):
    # GCNConv: add self-loops, symmetric deg^{-1/2} normalization, linear transform,
    # scatter-add aggregation by destination node, plus bias.
    n = x.shape[0]
    loop = jnp.arange(n, dtype=edge_index.dtype)
    src = jnp.concatenate([edge_index[0], loop])
    dst = jnp.concatenate([edge_index[1], loop])
    deg = jnp.zeros((n,), dtype=x.dtype).at[dst].add(jnp.ones_like(dst, dtype=x.dtype))
    deg_inv_sqrt = jnp.where(deg > 0, jax.lax.rsqrt(jnp.maximum(deg, 1e-12)), 0.0)
    norm = deg_inv_sqrt[src] * deg_inv_sqrt[dst]
    h = x @ W.T
    msg = h[src] * norm[:, None]
    out = jnp.zeros((n, W.shape[0]), dtype=x.dtype).at[dst].add(msg)
    return out + b

if __name__ == "__main__":
    import jax
    _d = setup_inputs()
    print(jax.jit(kernel)(*tuple(_d.values())))

</pallas_src>

<mosaic_0001>
#map = affine_map<(d0, d1) -> (0)>
#map1 = affine_map<(d0, d1) -> (0, 0)>
module attributes {stable_mosaic.version = 14 : i64} {
  func.func @_sc_degree(%arg0: i32, %arg1: i32, %arg2: memref<640000xi32, #tpu.memory_space<hbm>>, %arg3: memref<2x10240xf32, #tpu.memory_space<hbm>>, %arg4: memref<2000xi32, #tpu.memory_space<vmem>>, %arg5: memref<2000xf32, #tpu.memory_space<vmem>>, %arg6: memref<640xf32, #tpu.memory_space<vmem>>, %arg7: memref<10240xf32, #tpu.memory_space<vmem_shared>>) attributes {dimension_semantics = [#tpu.dimension_semantics<core_parallel>, #tpu.dimension_semantics<subcore_parallel>], iteration_bounds = array<i64: 2, 16>, scalar_prefetch = 0 : i64, scratch_operands = 4 : i64, tpu.core_type = #tpu.core_type<sc_vector_subcore>, window_params = [{transform_indices = #map}, {transform_indices = #map1}]} {
    %mul3A = arith.constant 2 : i32
    %mul3A_0 = arith.muli %arg1, %mul3A : i32
    %add3A = arith.addi %mul3A_0, %arg0 : i32
    %scan3A = arith.constant 0 : i32
    %scan3A_1 = arith.constant 0 : i32
    %scan3A_2 = arith.constant 125 : i32
    %scan3A_3 = arith.addi %scan3A_1, %scan3A_2 : i32
    %scan3A_4 = arith.constant 1 : i32
    %scan3A_5 = scf.for %scan3A_19 = %scan3A_1 to %scan3A_3 step %scan3A_4 iter_args(%scan3A_20 = %scan3A) -> (i32)  : i32 {
      %broadcast_in_dim3A = arith.constant 1.000000e+00 : f32
      %broadcast_in_dim3A_21 = vector.broadcast %broadcast_in_dim3A : f32 to vector<16xf32>
      %mul3A_22 = arith.constant 16 : i32
      %mul3A_23 = arith.muli %scan3A_19, %mul3A_22 : i32
      %swap3A = arith.index_cast %mul3A_23 : i32 to index
      %swap3A_24 = tpu.vector_load %arg5[%swap3A] {strides = array<i32>} : memref<2000xf32, #tpu.memory_space<vmem>>, vector<16xf32>,
      %swap3A_25 = vector.shape_cast %swap3A_24 : vector<16xf32> to vector<16xf32>
      %swap3A_26 = vector.shape_cast %broadcast_in_dim3A_21 : vector<16xf32> to vector<16xf32>
      tpu.vector_store %arg5[%swap3A], %swap3A_26 {strides = array<i32>} : memref<2000xf32, #tpu.memory_space<vmem>>, vector<16xf32>,
      %broadcast_in_dim3A_27 = arith.constant 0.000000e+00 : f32
      %broadcast_in_dim3A_28 = vector.broadcast %broadcast_in_dim3A_27 : f32 to vector<16xf32>
      %jit3A = arith.constant 40 : i32
      %eq3A = arith.constant 0 : i32
      %eq3A_29 = arith.cmpi eq, %jit3A, %eq3A : i32
      %jit3A_30 = arith.constant 1 : i32
      %select_n3A = arith.select %eq3A_29, %jit3A_30, %jit3A : i32
      %rem3A = arith.remsi %scan3A_19, %select_n3A : i32
      %ne3A = arith.constant 0 : i32
      %ne3A_31 = arith.cmpi ne, %rem3A, %ne3A : i32
      %lt3A = arith.constant 0 : i32
      %lt3A_32 = arith.cmpi slt, %rem3A, %lt3A : i32
      %lt3A_33 = arith.constant 0 : i32
      %lt3A_34 = arith.cmpi slt, %select_n3A, %lt3A_33 : i32
      %ne3A_35 = arith.xori %lt3A_32, %lt3A_34 : i1
      %and3A = arith.andi %ne3A_35, %ne3A_31 : i1
      %add3A_36 = arith.addi %rem3A, %select_n3A : i32
      %select_n3A_37 = arith.select %and3A, %add3A_36, %rem3A : i32
      %mul3A_38 = arith.constant 16 : i32
      %mul3A_39 = arith.muli %select_n3A_37, %mul3A_38 : i32
      %swap3A_40 = arith.index_cast %mul3A_39 : i32 to index
      %swap3A_41 = tpu.vector_load %arg6[%swap3A_40] {strides = array<i32>} : memref<640xf32, #tpu.memory_space<vmem>>, vector<16xf32>,
      %swap3A_42 = vector.shape_cast %swap3A_41 : vector<16xf32> to vector<16xf32>
      %swap3A_43 = vector.shape_cast %broadcast_in_dim3A_28 : vector<16xf32> to vector<16xf32>
      tpu.vector_store %arg6[%swap3A_40], %swap3A_43 {strides = array<i32>} : memref<640xf32, #tpu.memory_space<vmem>>, vector<16xf32>,
      %scan3A_44 = arith.constant 0 : i32
      scf.yield %scan3A_44 : i32
    }
    %scan3A_6 = arith.constant 125 : i32
    %mul3A_7 = arith.constant 640 : i32
    %mul3A_8 = arith.muli %arg1, %mul3A_7 : i32
    %multiple_of3A = tpu.assume_multiple %mul3A_8, 8 : i32
    "tpu.region"() ({
      %run_scoped3A = tpu.sem_alloc : memref<!tpu.dma_semaphore, #tpu.memory_space<semaphore_mem>>
      %dma_start3A = tpu.memref_slice %arg7[%multiple_of3A] : memref<10240xf32, #tpu.memory_space<vmem_shared>> -> memref<640xf32, #tpu.memory_space<vmem_shared>>
      %dma_start3A_19 = tpu.memref_slice %arg7[%multiple_of3A] : memref<10240xf32, #tpu.memory_space<vmem_shared>> -> memref<640xf32, #tpu.memory_space<vmem_shared>>
      tpu.enqueue_dma source(%arg6 : memref<640xf32, #tpu.memory_space<vmem>>) target(%dma_start3A_19 : memref<640xf32, #tpu.memory_space<vmem_shared>>) target_semaphore(%run_scoped3A : memref<!tpu.dma_semaphore, #tpu.memory_space<semaphore_mem>>)
      %dma_wait3A = tpu.memref_slice %arg7[%multiple_of3A] : memref<10240xf32, #tpu.memory_space<vmem_shared>> -> memref<640xf32, #tpu.memory_space<vmem_shared>>
      %dma_wait3A_20 = tpu.memref_slice %arg7[%multiple_of3A] : memref<10240xf32, #tpu.memory_space<vmem_shared>> -> memref<640xf32, #tpu.memory_space<vmem_shared>>
      tpu.wait_dma2 semaphore(%run_scoped3A : memref<!tpu.dma_semaphore, #tpu.memory_space<semaphore_mem>>) src(%arg6 : memref<640xf32, #tpu.memory_space<vmem>>) dst(%dma_wait3A_20 : memref<640xf32, #tpu.memory_space<vmem_shared>>)
      tpu.yield
    }) : () -> ()
    %barrier3A = arith.constant 0 : index
    tpu.barrier barrier_id(%barrier3A)
    %mul3A_9 = arith.constant 10000 : i32
    %mul3A_10 = arith.muli %add3A, %mul3A_9 : i32
    %scan3A_11 = arith.constant 0 : i32
    %scan3A_12 = arith.constant 0 : i32
    %scan3A_13 = arith.constant 5 : i32
    %scan3A_14 = arith.addi %scan3A_12, %scan3A_13 : i32
    %scan3A_15 = arith.constant 1 : i32
    %scan3A_16 = scf.for %scan3A_19 = %scan3A_12 to %scan3A_14 step %scan3A_15 iter_args(%scan3A_20 = %scan3A_11) -> (i32)  : i32 {
      %add3A_21 = arith.constant 320000 : i32
      %add3A_22 = arith.addi %add3A_21, %mul3A_10 : i32
      %mul3A_23 = arith.constant 2000 : i32
      %mul3A_24 = arith.muli %scan3A_19, %mul3A_23 : i32
      %add3A_25 = arith.addi %add3A_22, %mul3A_24 : i32
      %multiple_of3A_26 = tpu.assume_multiple %add3A_25, 8 : i32
      "tpu.region"() ({
        %run_scoped3A = tpu.sem_alloc : memref<!tpu.dma_semaphore, #tpu.memory_space<semaphore_mem>>
        %dma_start3A = tpu.memref_slice %arg2[%multiple_of3A_26] : memref<640000xi32, #tpu.memory_space<hbm>> -> memref<2000xi32, #tpu.memory_space<hbm>>
        %dma_start3A_28 = tpu.memref_slice %arg2[%multiple_of3A_26] : memref<640000xi32, #tpu.memory_space<hbm>> -> memref<2000xi32, #tpu.memory_space<hbm>>
        tpu.enqueue_dma source(%dma_start3A_28 : memref<2000xi32, #tpu.memory_space<hbm>>) target(%arg4 : memref<2000xi32, #tpu.memory_space<vmem>>) target_semaphore(%run_scoped3A : memref<!tpu.dma_semaphore, #tpu.memory_space<semaphore_mem>>)
        %dma_wait3A = tpu.memref_slice %arg2[%multiple_of3A_26] : memref<640000xi32, #tpu.memory_space<hbm>> -> memref<2000xi32, #tpu.memory_space<hbm>>
        %dma_wait3A_29 = tpu.memref_slice %arg2[%multiple_of3A_26] : memref<640000xi32, #tpu.memory_space<hbm>> -> memref<2000xi32, #tpu.memory_space<hbm>>
        tpu.wait_dma2 semaphore(%run_scoped3A : memref<!tpu.dma_semaphore, #tpu.memory_space<semaphore_mem>>) src(%dma_wait3A_29 : memref<2000xi32, #tpu.memory_space<hbm>>) dst(%arg4 : memref<2000xi32, #tpu.memory_space<vmem>>)
        tpu.yield
      }) : () -> ()
      "tpu.region"() ({
        %run_scoped3A = tpu.sem_alloc : memref<!tpu.dma_semaphore, #tpu.memory_space<semaphore_mem>>
        %dma_start3A = arith.constant 0 : i32
        %dma_start3A_28 = tpu.memref_slice %arg7[%dma_start3A] : memref<10240xf32, #tpu.memory_space<vmem_shared>> -> memref<10240xf32, #tpu.memory_space<vmem_shared>>
        tpu.enqueue_indirect_dma source(%arg5 : memref<2000xf32, #tpu.memory_space<vmem>>) target(%dma_start3A_28 : memref<10240xf32, #tpu.memory_space<vmem_shared>>) offsets(%arg4 : memref<2000xi32, #tpu.memory_space<vmem>>) semaphore(%run_scoped3A : memref<!tpu.dma_semaphore, #tpu.memory_space<semaphore_mem>>) {add = true}
        %dma_wait3A = arith.constant 0 : i32
        %dma_wait3A_29 = tpu.memref_slice %arg7[%dma_wait3A] : memref<10240xf32, #tpu.memory_space<vmem_shared>> -> memref<10240xf32, #tpu.memory_space<vmem_shared>>
        tpu.wait_indirect_dma semaphore(%run_scoped3A : memref<!tpu.dma_semaphore, #tpu.memory_space<semaphore_mem>>) src(%arg5 : memref<2000xf32, #tpu.memory_space<vmem>>) dst(%dma_wait3A_29 : memref<10240xf32, #tpu.memory_space<vmem_shared>>)
        tpu.yield
      }) : () -> ()
      %scan3A_27 = arith.constant 0 : i32
      scf.yield %scan3A_27 : i32
    }
    %scan3A_17 = arith.constant 5 : i32
    %barrier3A_18 = arith.constant 0 : index
    tpu.barrier barrier_id(%barrier3A_18)
    "tpu.region"() ({
      %run_scoped3A = tpu.sem_alloc : memref<!tpu.dma_semaphore, #tpu.memory_space<semaphore_mem>>
      %dma_start3A = tpu.memref_slice %arg3[%arg0, %multiple_of3A] : memref<2x10240xf32, #tpu.memory_space<hbm>> -> memref<1x640xf32, #tpu.memory_space<hbm>>
      %dma_start3A_19 = tpu.memref_squeeze %dma_start3A : memref<1x640xf32, #tpu.memory_space<hbm>> -> memref<640xf32, #tpu.memory_space<hbm>>
      %dma_start3A_20 = tpu.memref_slice %arg7[%multiple_of3A] : memref<10240xf32, #tpu.memory_space<vmem_shared>> -> memref<640xf32, #tpu.memory_space<vmem_shared>>
      tpu.enqueue_dma source(%dma_start3A_20 : memref<640xf32, #tpu.memory_space<vmem_shared>>) target(%dma_start3A_19 : memref<640xf32, #tpu.memory_space<hbm>>) target_semaphore(%run_scoped3A : memref<!tpu.dma_semaphore, #tpu.memory_space<semaphore_mem>>)
      %dma_wait3A = tpu.memref_slice %arg3[%arg0, %multiple_of3A] : memref<2x10240xf32, #tpu.memory_space<hbm>> -> memref<1x640xf32, #tpu.memory_space<hbm>>
      %dma_wait3A_21 = tpu.memref_squeeze %dma_wait3A : memref<1x640xf32, #tpu.memory_space<hbm>> -> memref<640xf32, #tpu.memory_space<hbm>>
      %dma_wait3A_22 = tpu.memref_slice %arg7[%multiple_of3A] : memref<10240xf32, #tpu.memory_space<vmem_shared>> -> memref<640xf32, #tpu.memory_space<vmem_shared>>
      tpu.wait_dma2 semaphore(%run_scoped3A : memref<!tpu.dma_semaphore, #tpu.memory_space<semaphore_mem>>) src(%dma_wait3A_22 : memref<640xf32, #tpu.memory_space<vmem_shared>>) dst(%dma_wait3A_21 : memref<640xf32, #tpu.memory_space<hbm>>)
      tpu.yield
    }) : () -> ()
    return
  }
}

#map = affine_map<(d0, d1) -> (0, 0)>
#map1 = affine_map<(d0, d1) -> (0)>
#map2 = affine_map<(d0, d1) -> (0, 0, 0)>
module attributes {stable_mosaic.version = 14 : i64} {
  func.func @_sc_aggregate(%arg0: i32, %arg1: i32, %arg2: memref<10000x128xf32, #tpu.memory_space<hbm>>, %arg3: memref<640000xi32, #tpu.memory_space<hbm>>, %arg4: memref<2x10240x128xf32, #tpu.memory_space<hbm>>, %arg5: memref<10000xi32, #tpu.memory_space<vmem>>, %arg6: memref<10000xi32, #tpu.memory_space<vmem>>, %arg7: memref<40x128xf32, #tpu.memory_space<vmem>>, %arg8: memref<40x128xf32, #tpu.memory_space<vmem>>, %arg9: memref<40x128xf32, #tpu.memory_space<vmem>>, %arg10: memref<40x128xf32, #tpu.memory_space<vmem>>, %arg11: memref<40x128xf32, #tpu.memory_space<vmem>>, %arg12: memref<10240x128xf32, #tpu.memory_space<vmem_shared>>, %arg13: memref<!tpu.dma_semaphore, #tpu.memory_space<semaphore_mem>>, %arg14: memref<!tpu.dma_semaphore, #tpu.memory_space<semaphore_mem>>, %arg15: memref<!tpu.dma_semaphore, #tpu.memory_space<semaphore_mem>>, %arg16: memref<!tpu.dma_semaphore, #tpu.memory_space<semaphore_mem>>, %arg17: memref<!tpu.dma_semaphore, #tpu.memory_space<semaphore_mem>>, %arg18: memref<!tpu.dma_semaphore, #tpu.memory_space<semaphore_mem>>, %arg19: memref<!tpu.dma_semaphore, #tpu.memory_space<semaphore_mem>>, %arg20: memref<!tpu.dma_semaphore, #tpu.memory_space<semaphore_mem>>, %arg21: memref<!tpu.dma_semaphore, #tpu.memory_space<semaphore_mem>>, %arg22: memref<!tpu.dma_semaphore, #tpu.memory_space<semaphore_mem>>) attributes {dimension_semantics = [#tpu.dimension_semantics<core_parallel>, #tpu.dimension_semantics<subcore_parallel>], iteration_bounds = array<i64: 2, 16>, scalar_prefetch = 0 : i64, scratch_operands = 18 : i64, tpu.core_type = #tpu.core_type<sc_vector_subcore>, window_params = [{transform_indices = #map}, {transform_indices = #map1}, {transform_indices = #map2}]} {
    %mul3A = arith.constant 2 : i32
    %mul3A_0 = arith.muli %arg1, %mul3A : i32
    %add3A = arith.addi %mul3A_0, %arg0 : i32
    %scan3A = arith.constant 0 : i32
    %scan3A_1 = arith.constant 0 : i32
    %scan3A_2 = arith.constant 40 : i32
    %scan3A_3 = arith.addi %scan3A_1, %scan3A_2 : i32
    %scan3A_4 = arith.constant 1 : i32
    %scan3A_5 = scf.for %scan3A_165 = %scan3A_1 to %scan3A_3 step %scan3A_4 iter_args(%scan3A_166 = %scan3A) -> (i32)  : i32 {
      %broadcast_in_dim3A = arith.constant 0.000000e+00 : f32
      %broadcast_in_dim3A_167 = vector.broadcast %broadcast_in_dim3A : f32 to vector<16xf32>
      %swap3A = arith.index_cast %scan3A_165 : i32 to index
      %swap3A_168 = arith.constant 0 : index
      %swap3A_169 = tpu.vector_load %arg7[%swap3A, %swap3A_168] {strides = array<i32>} : memref<40x128xf32, #tpu.memory_space<vmem>>, vector<1x16xf32>,
      %swap3A_170 = vector.shape_cast %swap3A_169 : vector<1x16xf32> to vector<16xf32>
      %swap3A_171 = vector.shape_cast %broadcast_in_dim3A_167 : vector<16xf32> to vector<1x16xf32>
      tpu.vector_store %arg7[%swap3A, %swap3A_168], %swap3A_171 {strides = array<i32>} : memref<40x128xf32, #tpu.memory_space<vmem>>, vector<1x16xf32>,
      %broadcast_in_dim3A_172 = arith.constant 0.000000e+00 : f32
      %broadcast_in_dim3A_173 = vector.broadcast %broadcast_in_dim3A_172 : f32 to vector<16xf32>
      %swap3A_174 = arith.index_cast %scan3A_165 : i32 to index
      %swap3A_175 = arith.constant 16 : index
      %swap3A_176 = tpu.vector_load %arg7[%swap3A_174, %swap3A_175] {strides = array<i32>} : memref<40x128xf32, #tpu.memory_space<vmem>>, vector<1x16xf32>,
      %swap3A_177 = vector.shape_cast %swap3A_176 : vector<1x16xf32> to vector<16xf32>
      %swap3A_178 = vector.shape_cast %broadcast_in_dim3A_173 : vector<16xf32> to vector<1x16xf32>
      tpu.vector_store %arg7[%swap3A_174, %swap3A_175], %swap3A_178 {strides = array<i32>} : memref<40x128xf32, #tpu.memory_space<vmem>>, vector<1x16xf32>,
      %broadcast_in_dim3A_179 = arith.constant 0.000000e+00 : f32
      %broadcast_in_dim3A_180 = vector.broadcast %broadcast_in_dim3A_179 : f32 to vector<16xf32>
      %swap3A_181 = arith.index_cast %scan3A_165 : i32 to index
      %swap3A_182 = arith.constant 32 : index
      %swap3A_183 = tpu.vector_load %arg7[%swap3A_181, %swap3A_182] {strides = array<i32>} : memref<40x128xf32, #tpu.memory_space<vmem>>, vector<1x16xf32>,
      %swap3A_184 = vector.shape_cast %swap3A_183 : vector<1x16xf32> to vector<16xf32>
      %swap3A_185 = vector.shape_cast %broadcast_in_dim3A_180 : vector<16xf32> to vector<1x16xf32>
      tpu.vector_store %arg7[%swap3A_181, %swap3A_182], %swap3A_185 {strides = array<i32>} : memref<40x128xf32, #tpu.memory_space<vmem>>, vector<1x16xf32>,
      %broadcast_in_dim3A_186 = arith.constant 0.000000e+00 : f32
      %broadcast_in_dim3A_187 = vector.broadcast %broadcast_in_dim3A_186 : f32 to vector<16xf32>
      %swap3A_188 = arith.index_cast %scan3A_165 : i32 to index
      %swap3A_189 = arith.constant 48 : index
      %swap3A_190 = tpu.vector_load %arg7[%swap3A_188, %swap3A_189] {strides = array<i32>} : memref<40x128xf32, #tpu.memory_space<vmem>>, vector<1x16xf32>,
      %swap3A_191 = vector.shape_cast %swap3A_190 : vector<1x16xf32> to vector<16xf32>
      %swap3A_192 = vector.shape_cast %broadcast_in_dim3A_187 : vector<16xf32> to vector<1x16xf32>
      tpu.vector_store %arg7[%swap3A_188, %swap3A_189], %swap3A_192 {strides = array<i32>} : memref<40x128xf32, #tpu.memory_space<vmem>>, vector<1x16xf32>,
      %broadcast_in_dim3A_193 = arith.constant 0.000000e+00 : f32
      %broadcast_in_dim3A_194 = vector.broadcast %broadcast_in_dim3A_193 : f32 to vector<16xf32>
      %swap3A_195 = arith.index_cast %scan3A_165 : i32 to index
      %swap3A_196 = arith.constant 64 : index
      %swap3A_197 = tpu.vector_load %arg7[%swap3A_195, %swap3A_196] {strides = array<i32>} : memref<40x128xf32, #tpu.memory_space<vmem>>, vector<1x16xf32>,
      %swap3A_198 = vector.shape_cast %swap3A_197 : vector<1x16xf32> to vector<16xf32>
      %swap3A_199 = vector.shape_cast %broadcast_in_dim3A_194 : vector<16xf32> to vector<1x16xf32>
      tpu.vector_store %arg7[%swap3A_195, %swap3A_196], %swap3A_199 {strides = array<i32>} : memref<40x128xf32, #tpu.memory_space<vmem>>, vector<1x16xf32>,
      %broadcast_in_dim3A_200 = arith.constant 0.000000e+00 : f32
      %broadcast_in_dim3A_201 = vector.broadcast %broadcast_in_dim3A_200 : f32 to vector<16xf32>
      %swap3A_202 = arith.index_cast %scan3A_165 : i32 to index
      %swap3A_203 = arith.constant 80 : index
      %swap3A_204 = tpu.vector_load %arg7[%swap3A_202, %swap3A_203] {strides = array<i32>} : memref<40x128xf32, #tpu.memory_space<vmem>>, vector<1x16xf32>,
      %swap3A_205 = vector.shape_cast %swap3A_204 : vector<1x16xf32> to vector<16xf32>
      %swap3A_206 = vector.shape_cast %broadcast_in_dim3A_201 : vector<16xf32> to vector<1x16xf32>
      tpu.vector_store %arg7[%swap3A_202, %swap3A_203], %swap3A_206 {strides = array<i32>} : memref<40x128xf32, #tpu.memory_space<vmem>>, vector<1x16xf32>,
      %broadcast_in_dim3A_207 = arith.constant 0.000000e+00 : f32
      %broadcast_in_dim3A_208 = vector.broadcast %broadcast_in_dim3A_207 : f32 to vector<16xf32>
      %swap3A_209 = arith.index_cast %scan3A_165 : i32 to index
      %swap3A_210 = arith.constant 96 : index
      %swap3A_211 = tpu.vector_load %arg7[%swap3A_209, %swap3A_210] {strides = array<i32>} : memref<40x128xf32, #tpu.memory_space<vmem>>, vector<1x16xf32>,
      %swap3A_212 = vector.shape_cast %swap3A_211 : vector<1x16xf32> to vector<16xf32>
      %swap3A_213 = vector.shape_cast %broadcast_in_dim3A_208 : vector<16xf32> to vector<1x16xf32>
      tpu.vector_store %arg7[%swap3A_209, %swap3A_210], %swap3A_213 {strides = array<i32>} : memref<40x128xf32, #tpu.memory_space<vmem>>, vector<1x16xf32>,
      %broadcast_in_dim3A_214 = arith.constant 0.000000e+00 : f32
      %broadcast_in_dim3A_215 = vector.broadcast %broadcast_in_dim3A_214 : f32 to vector<16xf32>
      %swap3A_216 = arith.index_cast %scan3A_165 : i32 to index
      %swap3A_217 = arith.constant 112 : index
      %swap3A_218 = tpu.vector_load %arg7[%swap3A_216, %swap3A_217] {strides = array<i32>} : memref<40x128xf32, #tpu.memory_space<vmem>>, vector<1x16xf32>,
      %swap3A_219 = vector.shape_cast %swap3A_218 : vector<1x16xf32> to vector<16xf32>
      %swap3A_220 = vector.shape_cast %broadcast_in_dim3A_215 : vector<16xf32> to vector<1x16xf32>
      tpu.vector_store %arg7[%swap3A_216, %swap3A_217], %swap3A_220 {strides = array<i32>} : memref<40x128xf32, #tpu.memory_space<vmem>>, vector<1x16xf32>,
      %scan3A_221 = arith.constant 0 : i32
      scf.yield %scan3A_221 : i32
    }
    %scan3A_6 = arith.constant 40 : i32
    %mul3A_7 = arith.constant 640 : i32
    %mul3A_8 = arith.muli %arg1, %mul3A_7 : i32
    %multiple_of3A = tpu.assume_multiple %mul3A_8, 8 : i32
    %add3A_9 = arith.constant 0 : i32
    %add3A_10 = arith.addi %multiple_of3A, %add3A_9 : i32
    "tpu.region"() ({
      %run_scoped3A = tpu.sem_alloc : memref<!tpu.dma_semaphore, #tpu.memory_space<semaphore_mem>>
      %dma_start3A_165 = arith.constant 0 : i32
      %dma_start3A_166 = tpu.memref_slice %arg12[%add3A_10, %dma_start3A_165] : memref<10240x128xf32, #tpu.memory_space<vmem_shared>> -> memref<40x128xf32, #tpu.memory_space<vmem_shared>>
      %dma_start3A_167 = arith.constant 0 : i32
      %dma_start3A_168 = tpu.memref_slice %arg12[%add3A_10, %dma_start3A_167] : memref<10240x128xf32, #tpu.memory_space<vmem_shared>> -> memref<40x128xf32, #tpu.memory_space<vmem_shared>>
      tpu.enqueue_dma source(%arg7 : memref<40x128xf32, #tpu.memory_space<vmem>>) target(%dma_start3A_168 : memref<40x128xf32, #tpu.memory_space<vmem_shared>>) target_semaphore(%run_scoped3A : memref<!tpu.dma_semaphore, #tpu.memory_space<semaphore_mem>>)
      %dma_wait3A_169 = arith.constant 0 : i32
      %dma_wait3A_170 = tpu.memref_slice %arg12[%add3A_10, %dma_wait3A_169] : memref<10240x128xf32, #tpu.memory_space<vmem_shared>> -> memref<40x128xf32, #tpu.memory_space<vmem_shared>>
      %dma_wait3A_171 = arith.constant 0 : i32
      %dma_wait3A_172 = tpu.memref_slice %arg12[%add3A_10, %dma_wait3A_171] : memref<10240x128xf32, #tpu.memory_space<vmem_shared>> -> memref<40x128xf32, #tpu.memory_space<vmem_shared>>
      tpu.wait_dma2 semaphore(%run_scoped3A : memref<!tpu.dma_semaphore, #tpu.memory_space<semaphore_mem>>) src(%arg7 : memref<40x128xf32, #tpu.memory_space<vmem>>) dst(%dma_wait3A_172 : memref<40x128xf32, #tpu.memory_space<vmem_shared>>)
      tpu.yield
    }) : () -> ()
    %add3A_11 = arith.constant 40 : i32
    %add3A_12 = arith.addi %multiple_of3A, %add3A_11 : i32
    "tpu.region"() ({
      %run_scoped3A = tpu.sem_alloc : memref<!tpu.dma_semaphore, #tpu.memory_space<semaphore_mem>>
      %dma_start3A_165 = arith.constant 0 : i32
      %dma_start3A_166 = tpu.memref_slice %arg12[%add3A_12, %dma_start3A_165] : memref<10240x128xf32, #tpu.memory_space<vmem_shared>> -> memref<40x128xf32, #tpu.memory_space<vmem_shared>>
      %dma_start3A_167 = arith.constant 0 : i32
      %dma_start3A_168 = tpu.memref_slice %arg12[%add3A_12, %dma_start3A_167] : memref<10240x128xf32, #tpu.memory_space<vmem_shared>> -> memref<40x128xf32, #tpu.memory_space<vmem_shared>>
      tpu.enqueue_dma source(%arg7 : memref<40x128xf32, #tpu.memory_space<vmem>>) target(%dma_start3A_168 : memref<40x128xf32, #tpu.memory_space<vmem_shared>>) target_semaphore(%run_scoped3A : memref<!tpu.dma_semaphore, #tpu.memory_space<semaphore_mem>>)
      %dma_wait3A_169 = arith.constant 0 : i32
      %dma_wait3A_170 = tpu.memref_slice %arg12[%add3A_12, %dma_wait3A_169] : memref<10240x128xf32, #tpu.memory_space<vmem_shared>> -> memref<40x128xf32, #tpu.memory_space<vmem_shared>>
      %dma_wait3A_171 = arith.constant 0 : i32
      %dma_wait3A_172 = tpu.memref_slice %arg12[%add3A_12, %dma_wait3A_171] : memref<10240x128xf32, #tpu.memory_space<vmem_shared>> -> memref<40x128xf32, #tpu.memory_space<vmem_shared>>
      tpu.wait_dma2 semaphore(%run_scoped3A : memref<!tpu.dma_semaphore, #tpu.memory_space<semaphore_mem>>) src(%arg7 : memref<40x128xf32, #tpu.memory_space<vmem>>) dst(%dma_wait3A_172 : memref<40x128xf32, #tpu.memory_space<vmem_shared>>)
      tpu.yield
    }) : () -> ()
    %add3A_13 = arith.constant 80 : i32
    %add3A_14 = arith.addi %multiple_of3A, %add3A_13 : i32
    "tpu.region"() ({
      %run_scoped3A = tpu.sem_alloc : memref<!tpu.dma_semaphore, #tpu.memory_space<semaphore_mem>>
      %dma_start3A_165 = arith.constant 0 : i32
      %dma_start3A_166 = tpu.memref_slice %arg12[%add3A_14, %dma_start3A_165] : memref<10240x128xf32, #tpu.memory_space<vmem_shared>> -> memref<40x128xf32, #tpu.memory_space<vmem_shared>>
      %dma_start3A_167 = arith.constant 0 : i32
      %dma_start3A_168 = tpu.memref_slice %arg12[%add3A_14, %dma_start3A_167] : memref<10240x128xf32, #tpu.memory_space<vmem_shared>> -> memref<40x128xf32, #tpu.memory_space<vmem_shared>>
      tpu.enqueue_dma source(%arg7 : memref<40x128xf32, #tpu.memory_space<vmem>>) target(%dma_start3A_168 : memref<40x128xf32, #tpu.memory_space<vmem_shared>>) target_semaphore(%run_scoped3A : memref<!tpu.dma_semaphore, #tpu.memory_space<semaphore_mem>>)
      %dma_wait3A_169 = arith.constant 0 : i32
      %dma_wait3A_170 = tpu.memref_slice %arg12[%add3A_14, %dma_wait3A_169] : memref<10240x128xf32, #tpu.memory_space<vmem_shared>> -> memref<40x128xf32, #tpu.memory_space<vmem_shared>>
      %dma_wait3A_171 = arith.constant 0 : i32
      %dma_wait3A_172 = tpu.memref_slice %arg12[%add3A_14, %dma_wait3A_171] : memref<10240x128xf32, #tpu.memory_space<vmem_shared>> -> memref<40x128xf32, #tpu.memory_space<vmem_shared>>
      tpu.wait_dma2 semaphore(%run_scoped3A : memref<!tpu.dma_semaphore, #tpu.memory_space<semaphore_mem>>) src(%arg7 : memref<40x128xf32, #tpu.memory_space<vmem>>) dst(%dma_wait3A_172 : memref<40x128xf32, #tpu.memory_space<vmem_shared>>)
      tpu.yield
    }) : () -> ()
    %add3A_15 = arith.constant 120 : i32
    %add3A_16 = arith.addi %multiple_of3A, %add3A_15 : i32
    "tpu.region"() ({
      %run_scoped3A = tpu.sem_alloc : memref<!tpu.dma_semaphore, #tpu.memory_space<semaphore_mem>>
      %dma_start3A_165 = arith.constant 0 : i32
      %dma_start3A_166 = tpu.memref_slice %arg12[%add3A_16, %dma_start3A_165] : memref<10240x128xf32, #tpu.memory_space<vmem_shared>> -> memref<40x128xf32, #tpu.memory_space<vmem_shared>>
      %dma_start3A_167 = arith.constant 0 : i32
      %dma_start3A_168 = tpu.memref_slice %arg12[%add3A_16, %dma_start3A_167] : memref<10240x128xf32, #tpu.memory_space<vmem_shared>> -> memref<40x128xf32, #tpu.memory_space<vmem_shared>>
      tpu.enqueue_dma source(%arg7 : memref<40x128xf32, #tpu.memory_space<vmem>>) target(%dma_start3A_168 : memref<40x128xf32, #tpu.memory_space<vmem_shared>>) target_semaphore(%run_scoped3A : memref<!tpu.dma_semaphore, #tpu.memory_space<semaphore_mem>>)
      %dma_wait3A_169 = arith.constant 0 : i32
      %dma_wait3A_170 = tpu.memref_slice %arg12[%add3A_16, %dma_wait3A_169] : memref<10240x128xf32, #tpu.memory_space<vmem_shared>> -> memref<40x128xf32, #tpu.memory_space<vmem_shared>>
      %dma_wait3A_171 = arith.constant 0 : i32
      %dma_wait3A_172 = tpu.memref_slice %arg12[%add3A_16, %dma_wait3A_171] : memref<10240x128xf32, #tpu.memory_space<vmem_shared>> -> memref<40x128xf32, #tpu.memory_space<vmem_shared>>
      tpu.wait_dma2 semaphore(%run_scoped3A : memref<!tpu.dma_semaphore, #tpu.memory_space<semaphore_mem>>) src(%arg7 : memref<40x128xf32, #tpu.memory_space<vmem>>) dst(%dma_wait3A_172 : memref<40x128xf32, #tpu.memory_space<vmem_shared>>)
      tpu.yield
    }) : () -> ()
    %add3A_17 = arith.constant 160 : i32
    %add3A_18 = arith.addi %multiple_of3A, %add3A_17 : i32
    "tpu.region"() ({
      %run_scoped3A = tpu.sem_alloc : memref<!tpu.dma_semaphore, #tpu.memory_space<semaphore_mem>>
      %dma_start3A_165 = arith.constant 0 : i32
      %dma_start3A_166 = tpu.memref_slice %arg12[%add3A_18, %dma_start3A_165] : memref<10240x128xf32, #tpu.memory_space<vmem_shared>> -> memref<40x128xf32, #tpu.memory_space<vmem_shared>>
      %dma_start3A_167 = arith.constant 0 : i32
      %dma_start3A_168 = tpu.memref_slice %arg12[%add3A_18, %dma_start3A_167] : memref<10240x128xf32, #tpu.memory_space<vmem_shared>> -> memref<40x128xf32, #tpu.memory_space<vmem_shared>>
      tpu.enqueue_dma source(%arg7 : memref<40x128xf32, #tpu.memory_space<vmem>>) target(%dma_start3A_168 : memref<40x128xf32, #tpu.memory_space<vmem_shared>>) target_semaphore(%run_scoped3A : memref<!tpu.dma_semaphore, #tpu.memory_space<semaphore_mem>>)
      %dma_wait3A_169 = arith.constant 0 : i32
      %dma_wait3A_170 = tpu.memref_slice %arg12[%add3A_18, %dma_wait3A_169] : memref<10240x128xf32, #tpu.memory_space<vmem_shared>> -> memref<40x128xf32, #tpu.memory_space<vmem_shared>>
      %dma_wait3A_171 = arith.constant 0 : i32
      %dma_wait3A_172 = tpu.memref_slice %arg12[%add3A_18, %dma_wait3A_171] : memref<10240x128xf32, #tpu.memory_space<vmem_shared>> -> memref<40x128xf32, #tpu.memory_space<vmem_shared>>
      tpu.wait_dma2 semaphore(%run_scoped3A : memref<!tpu.dma_semaphore, #tpu.memory_space<semaphore_mem>>) src(%arg7 : memref<40x128xf32, #tpu.memory_space<vmem>>) dst(%dma_wait3A_172 : memref<40x128xf32, #tpu.memory_space<vmem_shared>>)
      tpu.yield
    }) : () -> ()
    %add3A_19 = arith.constant 200 : i32
    %add3A_20 = arith.addi %multiple_of3A, %add3A_19 : i32
    "tpu.region"() ({
      %run_scoped3A = tpu.sem_alloc : memref<!tpu.dma_semaphore, #tpu.memory_space<semaphore_mem>>
      %dma_start3A_165 = arith.constant 0 : i32
      %dma_start3A_166 = tpu.memref_slice %arg12[%add3A_20, %dma_start3A_165] : memref<10240x128xf32, #tpu.memory_space<vmem_shared>> -> memref<40x128xf32, #tpu.memory_space<vmem_shared>>
      %dma_start3A_167 = arith.constant 0 : i32
      %dma_start3A_168 = tpu.memref_slice %arg12[%add3A_20, %dma_start3A_167] : memref<10240x128xf32, #tpu.memory_space<vmem_shared>> -> memref<40x128xf32, #tpu.memory_space<vmem_shared>>
      tpu.enqueue_dma source(%arg7 : memref<40x128xf32, #tpu.memory_space<vmem>>) target(%dma_start3A_168 : memref<40x128xf32, #tpu.memory_space<vmem_shared>>) target_semaphore(%run_scoped3A : memref<!tpu.dma_semaphore, #tpu.memory_space<semaphore_mem>>)
      %dma_wait3A_169 = arith.constant 0 : i32
      %dma_wait3A_170 = tpu.memref_slice %arg12[%add3A_20, %dma_wait3A_169] : memref<10240x128xf32, #tpu.memory_space<vmem_shared>> -> memref<40x128xf32, #tpu.memory_space<vmem_shared>>
      %dma_wait3A_171 = arith.constant 0 : i32
      %dma_wait3A_172 = tpu.memref_slice %arg12[%add3A_20, %dma_wait3A_171] : memref<10240x128xf32, #tpu.memory_space<vmem_shared>> -> memref<40x128xf32, #tpu.memory_space<vmem_shared>>
      tpu.wait_dma2 semaphore(%run_scoped3A : memref<!tpu.dma_semaphore, #tpu.memory_space<semaphore_mem>>) src(%arg7 : memref<40x128xf32, #tpu.memory_space<vmem>>) dst(%dma_wait3A_172 : memref<40x128xf32, #tpu.memory_space<vmem_shared>>)
      tpu.yield
    }) : () -> ()
    %add3A_21 = arith.constant 240 : i32
    %add3A_22 = arith.addi %multiple_of3A, %add3A_21 : i32
    "tpu.region"() ({
      %run_scoped3A = tpu.sem_alloc : memref<!tpu.dma_semaphore, #tpu.memory_space<semaphore_mem>>
      %dma_start3A_165 = arith.constant 0 : i32
      %dma_start3A_166 = tpu.memref_slice %arg12[%add3A_22, %dma_start3A_165] : memref<10240x128xf32, #tpu.memory_space<vmem_shared>> -> memref<40x128xf32, #tpu.memory_space<vmem_shared>>
      %dma_start3A_167 = arith.constant 0 : i32
      %dma_start3A_168 = tpu.memref_slice %arg12[%add3A_22, %dma_start3A_167] : memref<10240x128xf32, #tpu.memory_space<vmem_shared>> -> memref<40x128xf32, #tpu.memory_space<vmem_shared>>
      tpu.enqueue_dma source(%arg7 : memref<40x128xf32, #tpu.memory_space<vmem>>) target(%dma_start3A_168 : memref<40x128xf32, #tpu.memory_space<vmem_shared>>) target_semaphore(%run_scoped3A : memref<!tpu.dma_semaphore, #tpu.memory_space<semaphore_mem>>)
      %dma_wait3A_169 = arith.constant 0 : i32
      %dma_wait3A_170 = tpu.memref_slice %arg12[%add3A_22, %dma_wait3A_169] : memref<10240x128xf32, #tpu.memory_space<vmem_shared>> -> memref<40x128xf32, #tpu.memory_space<vmem_shared>>
      %dma_wait3A_171 = arith.constant 0 : i32
      %dma_wait3A_172 = tpu.memref_slice %arg12[%add3A_22, %dma_wait3A_171] : memref<10240x128xf32, #tpu.memory_space<vmem_shared>> -> memref<40x128xf32, #tpu.memory_space<vmem_shared>>
      tpu.wait_dma2 semaphore(%run_scoped3A : memref<!tpu.dma_semaphore, #tpu.memory_space<semaphore_mem>>) src(%arg7 : memref<40x128xf32, #tpu.memory_space<vmem>>) dst(%dma_wait3A_172 : memref<40x128xf32, #tpu.memory_space<vmem_shared>>)
      tpu.yield
    }) : () -> ()
    %add3A_23 = arith.constant 280 : i32
    %add3A_24 = arith.addi %multiple_of3A, %add3A_23 : i32
    "tpu.region"() ({
      %run_scoped3A = tpu.sem_alloc : memref<!tpu.dma_semaphore, #tpu.memory_space<semaphore_mem>>
      %dma_start3A_165 = arith.constant 0 : i32
      %dma_start3A_166 = tpu.memref_slice %arg12[%add3A_24, %dma_start3A_165] : memref<10240x128xf32, #tpu.memory_space<vmem_shared>> -> memref<40x128xf32, #tpu.memory_space<vmem_shared>>
      %dma_start3A_167 = arith.constant 0 : i32
      %dma_start3A_168 = tpu.memref_slice %arg12[%add3A_24, %dma_start3A_167] : memref<10240x128xf32, #tpu.memory_space<vmem_shared>> -> memref<40x128xf32, #tpu.memory_space<vmem_shared>>
      tpu.enqueue_dma source(%arg7 : memref<40x128xf32, #tpu.memory_space<vmem>>) target(%dma_start3A_168 : memref<40x128xf32, #tpu.memory_space<vmem_shared>>) target_semaphore(%run_scoped3A : memref<!tpu.dma_semaphore, #tpu.memory_space<semaphore_mem>>)
      %dma_wait3A_169 = arith.constant 0 : i32
      %dma_wait3A_170 = tpu.memref_slice %arg12[%add3A_24, %dma_wait3A_169] : memref<10240x128xf32, #tpu.memory_space<vmem_shared>> -> memref<40x128xf32, #tpu.memory_space<vmem_shared>>
      %dma_wait3A_171 = arith.constant 0 : i32
      %dma_wait3A_172 = tpu.memref_slice %arg12[%add3A_24, %dma_wait3A_171] : memref<10240x128xf32, #tpu.memory_space<vmem_shared>> -> memref<40x128xf32, #tpu.memory_space<vmem_shared>>
      tpu.wait_dma2 semaphore(%run_scoped3A : memref<!tpu.dma_semaphore, #tpu.memory_space<semaphore_mem>>) src(%arg7 : memref<40x128xf32, #tpu.memory_space<vmem>>) dst(%dma_wait3A_172 : memref<40x128xf32, #tpu.memory_space<vmem_shared>>)
      tpu.yield
    }) : () -> ()
    %add3A_25 = arith.constant 320 : i32
    %add3A_26 = arith.addi %multiple_of3A, %add3A_25 : i32
    "tpu.region"() ({
      %run_scoped3A = tpu.sem_alloc : memref<!tpu.dma_semaphore, #tpu.memory_space<semaphore_mem>>
      %dma_start3A_165 = arith.constant 0 : i32
      %dma_start3A_166 = tpu.memref_slice %arg12[%add3A_26, %dma_start3A_165] : memref<10240x128xf32, #tpu.memory_space<vmem_shared>> -> memref<40x128xf32, #tpu.memory_space<vmem_shared>>
      %dma_start3A_167 = arith.constant 0 : i32
      %dma_start3A_168 = tpu.memref_slice %arg12[%add3A_26, %dma_start3A_167] : memref<10240x128xf32, #tpu.memory_space<vmem_shared>> -> memref<40x128xf32, #tpu.memory_space<vmem_shared>>
      tpu.enqueue_dma source(%arg7 : memref<40x128xf32, #tpu.memory_space<vmem>>) target(%dma_start3A_168 : memref<40x128xf32, #tpu.memory_space<vmem_shared>>) target_semaphore(%run_scoped3A : memref<!tpu.dma_semaphore, #tpu.memory_space<semaphore_mem>>)
      %dma_wait3A_169 = arith.constant 0 : i32
      %dma_wait3A_170 = tpu.memref_slice %arg12[%add3A_26, %dma_wait3A_169] : memref<10240x128xf32, #tpu.memory_space<vmem_shared>> -> memref<40x128xf32, #tpu.memory_space<vmem_shared>>
      %dma_wait3A_171 = arith.constant 0 : i32
      %dma_wait3A_172 = tpu.memref_slice %arg12[%add3A_26, %dma_wait3A_171] : memref<10240x128xf32, #tpu.memory_space<vmem_shared>> -> memref<40x128xf32, #tpu.memory_space<vmem_shared>>
      tpu.wait_dma2 semaphore(%run_scoped3A : memref<!tpu.dma_semaphore, #tpu.memory_space<semaphore_mem>>) src(%arg7 : memref<40x128xf32, #tpu.memory_space<vmem>>) dst(%dma_wait3A_172 : memref<40x128xf32, #tpu.memory_space<vmem_shared>>)
      tpu.yield
    }) : () -> ()
    %add3A_27 = arith.constant 360 : i32
    %add3A_28 = arith.addi %multiple_of3A, %add3A_27 : i32
    "tpu.region"() ({
      %run_scoped3A = tpu.sem_alloc : memref<!tpu.dma_semaphore, #tpu.memory_space<semaphore_mem>>
      %dma_start3A_165 = arith.constant 0 : i32
      %dma_start3A_166 = tpu.memref_slice %arg12[%add3A_28, %dma_start3A_165] : memref<10240x128xf32, #tpu.memory_space<vmem_shared>> -> memref<40x128xf32, #tpu.memory_space<vmem_shared>>
      %dma_start3A_167 = arith.constant 0 : i32
      %dma_start3A_168 = tpu.memref_slice %arg12[%add3A_28, %dma_start3A_167] : memref<10240x128xf32, #tpu.memory_space<vmem_shared>> -> memref<40x128xf32, #tpu.memory_space<vmem_shared>>
      tpu.enqueue_dma source(%arg7 : memref<40x128xf32, #tpu.memory_space<vmem>>) target(%dma_start3A_168 : memref<40x128xf32, #tpu.memory_space<vmem_shared>>) target_semaphore(%run_scoped3A : memref<!tpu.dma_semaphore, #tpu.memory_space<semaphore_mem>>)
      %dma_wait3A_169 = arith.constant 0 : i32
      %dma_wait3A_170 = tpu.memref_slice %arg12[%add3A_28, %dma_wait3A_169] : memref<10240x128xf32, #tpu.memory_space<vmem_shared>> -> memref<40x128xf32, #tpu.memory_space<vmem_shared>>
      %dma_wait3A_171 = arith.constant 0 : i32
      %dma_wait3A_172 = tpu.memref_slice %arg12[%add3A_28, %dma_wait3A_171] : memref<10240x128xf32, #tpu.memory_space<vmem_shared>> -> memref<40x128xf32, #tpu.memory_space<vmem_shared>>
      tpu.wait_dma2 semaphore(%run_scoped3A : memref<!tpu.dma_semaphore, #tpu.memory_space<semaphore_mem>>) src(%arg7 : memref<40x128xf32, #tpu.memory_space<vmem>>) dst(%dma_wait3A_172 : memref<40x128xf32, #tpu.memory_space<vmem_shared>>)
      tpu.yield
    }) : () -> ()
    %add3A_29 = arith.constant 400 : i32
    %add3A_30 = arith.addi %multiple_of3A, %add3A_29 : i32
    "tpu.region"() ({
      %run_scoped3A = tpu.sem_alloc : memref<!tpu.dma_semaphore, #tpu.memory_space<semaphore_mem>>
      %dma_start3A_165 = arith.constant 0 : i32
      %dma_start3A_166 = tpu.memref_slice %arg12[%add3A_30, %dma_start3A_165] : memref<10240x128xf32, #tpu.memory_space<vmem_shared>> -> memref<40x128xf32, #tpu.memory_space<vmem_shared>>
      %dma_start3A_167 = arith.constant 0 : i32
      %dma_start3A_168 = tpu.memref_slice %arg12[%add3A_30, %dma_start3A_167] : memref<10240x128xf32, #tpu.memory_space<vmem_shared>> -> memref<40x128xf32, #tpu.memory_space<vmem_shared>>
      tpu.enqueue_dma source(%arg7 : memref<40x128xf32, #tpu.memory_space<vmem>>) target(%dma_start3A_168 : memref<40x128xf32, #tpu.memory_space<vmem_shared>>) target_semaphore(%run_scoped3A : memref<!tpu.dma_semaphore, #tpu.memory_space<semaphore_mem>>)
      %dma_wait3A_169 = arith.constant 0 : i32
      %dma_wait3A_170 = tpu.memref_slice %arg12[%add3A_30, %dma_wait3A_169] : memref<10240x128xf32, #tpu.memory_space<vmem_shared>> -> memref<40x128xf32, #tpu.memory_space<vmem_shared>>
      %dma_wait3A_171 = arith.constant 0 : i32
      %dma_wait3A_172 = tpu.memref_slice %arg12[%add3A_30, %dma_wait3A_171] : memref<10240x128xf32, #tpu.memory_space<vmem_shared>> -> memref<40x128xf32, #tpu.memory_space<vmem_shared>>
      tpu.wait_dma2 semaphore(%run_scoped3A : memref<!tpu.dma_semaphore, #tpu.memory_space<semaphore_mem>>) src(%arg7 : memref<40x128xf32, #tpu.memory_space<vmem>>) dst(%dma_wait3A_172 : memref<40x128xf32, #tpu.memory_space<vmem_shared>>)
      tpu.yield
    }) : () -> ()
    %add3A_31 = arith.constant 440 : i32
    %add3A_32 = arith.addi %multiple_of3A, %add3A_31 : i32
    "tpu.region"() ({
      %run_scoped3A = tpu.sem_alloc : memref<!tpu.dma_semaphore, #tpu.memory_space<semaphore_mem>>
      %dma_start3A_165 = arith.constant 0 : i32
      %dma_start3A_166 = tpu.memref_slice %arg12[%add3A_32, %dma_start3A_165] : memref<10240x128xf32, #tpu.memory_space<vmem_shared>> -> memref<40x128xf32, #tpu.memory_space<vmem_shared>>
      %dma_start3A_167 = arith.constant 0 : i32
      %dma_start3A_168 = tpu.memref_slice %arg12[%add3A_32, %dma_start3A_167] : memref<10240x128xf32, #tpu.memory_space<vmem_shared>> -> memref<40x128xf32, #tpu.memory_space<vmem_shared>>
      tpu.enqueue_dma source(%arg7 : memref<40x128xf32, #tpu.memory_space<vmem>>) target(%dma_start3A_168 : memref<40x128xf32, #tpu.memory_space<vmem_shared>>) target_semaphore(%run_scoped3A : memref<!tpu.dma_semaphore, #tpu.memory_space<semaphore_mem>>)
      %dma_wait3A_169 = arith.constant 0 : i32
      %dma_wait3A_170 = tpu.memref_slice %arg12[%add3A_32, %dma_wait3A_169] : memref<10240x128xf32, #tpu.memory_space<vmem_shared>> -> memref<40x128xf32, #tpu.memory_space<vmem_shared>>
      %dma_wait3A_171 = arith.constant 0 : i32
      %dma_wait3A_172 = tpu.memref_slice %arg12[%add3A_32, %dma_wait3A_171] : memref<10240x128xf32, #tpu.memory_space<vmem_shared>> -> memref<40x128xf32, #tpu.memory_space<vmem_shared>>
      tpu.wait_dma2 semaphore(%run_scoped3A : memref<!tpu.dma_semaphore, #tpu.memory_space<semaphore_mem>>) src(%arg7 : memref<40x128xf32, #tpu.memory_space<vmem>>) dst(%dma_wait3A_172 : memref<40x128xf32, #tpu.memory_space<vmem_shared>>)
      tpu.yield
    }) : () -> ()
    %add3A_33 = arith.constant 480 : i32
    %add3A_34 = arith.addi %multiple_of3A, %add3A_33 : i32
    "tpu.region"() ({
      %run_scoped3A = tpu.sem_alloc : memref<!tpu.dma_semaphore, #tpu.memory_space<semaphore_mem>>
      %dma_start3A_165 = arith.constant 0 : i32
      %dma_start3A_166 = tpu.memref_slice %arg12[%add3A_34, %dma_start3A_165] : memref<10240x128xf32, #tpu.memory_space<vmem_shared>> -> memref<40x128xf32, #tpu.memory_space<vmem_shared>>
      %dma_start3A_167 = arith.constant 0 : i32
      %dma_start3A_168 = tpu.memref_slice %arg12[%add3A_34, %dma_start3A_167] : memref<10240x128xf32, #tpu.memory_space<vmem_shared>> -> memref<40x128xf32, #tpu.memory_space<vmem_shared>>
      tpu.enqueue_dma source(%arg7 : memref<40x128xf32, #tpu.memory_space<vmem>>) target(%dma_start3A_168 : memref<40x128xf32, #tpu.memory_space<vmem_shared>>) target_semaphore(%run_scoped3A : memref<!tpu.dma_semaphore, #tpu.memory_space<semaphore_mem>>)
      %dma_wait3A_169 = arith.constant 0 : i32
      %dma_wait3A_170 = tpu.memref_slice %arg12[%add3A_34, %dma_wait3A_169] : memref<10240x128xf32, #tpu.memory_space<vmem_shared>> -> memref<40x128xf32, #tpu.memory_space<vmem_shared>>
      %dma_wait3A_171 = arith.constant 0 : i32
      %dma_wait3A_172 = tpu.memref_slice %arg12[%add3A_34, %dma_wait3A_171] : memref<10240x128xf32, #tpu.memory_space<vmem_shared>> -> memref<40x128xf32, #tpu.memory_space<vmem_shared>>
      tpu.wait_dma2 semaphore(%run_scoped3A : memref<!tpu.dma_semaphore, #tpu.memory_space<semaphore_mem>>) src(%arg7 : memref<40x128xf32, #tpu.memory_space<vmem>>) dst(%dma_wait3A_172 : memref<40x128xf32, #tpu.memory_space<vmem_shared>>)
      tpu.yield
    }) : () -> ()
    %add3A_35 = arith.constant 520 : i32
    %add3A_36 = arith.addi %multiple_of3A, %add3A_35 : i32
    "tpu.region"() ({
      %run_scoped3A = tpu.sem_alloc : memref<!tpu.dma_semaphore, #tpu.memory_space<semaphore_mem>>
      %dma_start3A_165 = arith.constant 0 : i32
      %dma_start3A_166 = tpu.memref_slice %arg12[%add3A_36, %dma_start3A_165] : memref<10240x128xf32, #tpu.memory_space<vmem_shared>> -> memref<40x128xf32, #tpu.memory_space<vmem_shared>>
      %dma_start3A_167 = arith.constant 0 : i32
      %dma_start3A_168 = tpu.memref_slice %arg12[%add3A_36, %dma_start3A_167] : memref<10240x128xf32, #tpu.memory_space<vmem_shared>> -> memref<40x128xf32, #tpu.memory_space<vmem_shared>>
      tpu.enqueue_dma source(%arg7 : memref<40x128xf32, #tpu.memory_space<vmem>>) target(%dma_start3A_168 : memref<40x128xf32, #tpu.memory_space<vmem_shared>>) target_semaphore(%run_scoped3A : memref<!tpu.dma_semaphore, #tpu.memory_space<semaphore_mem>>)
      %dma_wait3A_169 = arith.constant 0 : i32
      %dma_wait3A_170 = tpu.memref_slice %arg12[%add3A_36, %dma_wait3A_169] : memref<10240x128xf32, #tpu.memory_space<vmem_shared>> -> memref<40x128xf32, #tpu.memory_space<vmem_shared>>
      %dma_wait3A_171 = arith.constant 0 : i32
      %dma_wait3A_172 = tpu.memref_slice %arg12[%add3A_36, %dma_wait3A_171] : memref<10240x128xf32, #tpu.memory_space<vmem_shared>> -> memref<40x128xf32, #tpu.memory_space<vmem_shared>>
      tpu.wait_dma2 semaphore(%run_scoped3A : memref<!tpu.dma_semaphore, #tpu.memory_space<semaphore_mem>>) src(%arg7 : memref<40x128xf32, #tpu.memory_space<vmem>>) dst(%dma_wait3A_172 : memref<40x128xf32, #tpu.memory_space<vmem_shared>>)
      tpu.yield
    }) : () -> ()
    %add3A_37 = arith.constant 560 : i32
    %add3A_38 = arith.addi %multiple_of3A, %add3A_37 : i32
    "tpu.region"() ({
      %run_scoped3A = tpu.sem_alloc : memref<!tpu.dma_semaphore, #tpu.memory_space<semaphore_mem>>
      %dma_start3A_165 = arith.constant 0 : i32
      %dma_start3A_166 = tpu.memref_slice %arg12[%add3A_38, %dma_start3A_165] : memref<10240x128xf32, #tpu.memory_space<vmem_shared>> -> memref<40x128xf32, #tpu.memory_space<vmem_shared>>
      %dma_start3A_167 = arith.constant 0 : i32
      %dma_start3A_168 = tpu.memref_slice %arg12[%add3A_38, %dma_start3A_167] : memref<10240x128xf32, #tpu.memory_space<vmem_shared>> -> memref<40x128xf32, #tpu.memory_space<vmem_shared>>
      tpu.enqueue_dma source(%arg7 : memref<40x128xf32, #tpu.memory_space<vmem>>) target(%dma_start3A_168 : memref<40x128xf32, #tpu.memory_space<vmem_shared>>) target_semaphore(%run_scoped3A : memref<!tpu.dma_semaphore, #tpu.memory_space<semaphore_mem>>)
      %dma_wait3A_169 = arith.constant 0 : i32
      %dma_wait3A_170 = tpu.memref_slice %arg12[%add3A_38, %dma_wait3A_169] : memref<10240x128xf32, #tpu.memory_space<vmem_shared>> -> memref<40x128xf32, #tpu.memory_space<vmem_shared>>
      %dma_wait3A_171 = arith.constant 0 : i32
      %dma_wait3A_172 = tpu.memref_slice %arg12[%add3A_38, %dma_wait3A_171] : memref<10240x128xf32, #tpu.memory_space<vmem_shared>> -> memref<40x128xf32, #tpu.memory_space<vmem_shared>>
      tpu.wait_dma2 semaphore(%run_scoped3A : memref<!tpu.dma_semaphore, #tpu.memory_space<semaphore_mem>>) src(%arg7 : memref<40x128xf32, #tpu.memory_space<vmem>>) dst(%dma_wait3A_172 : memref<40x128xf32, #tpu.memory_space<vmem_shared>>)
      tpu.yield
    }) : () -> ()
    %add3A_39 = arith.constant 600 : i32
    %add3A_40 = arith.addi %multiple_of3A, %add3A_39 : i32
    "tpu.region"() ({
      %run_scoped3A = tpu.sem_alloc : memref<!tpu.dma_semaphore, #tpu.memory_space<semaphore_mem>>
      %dma_start3A_165 = arith.constant 0 : i32
      %dma_start3A_166 = tpu.memref_slice %arg12[%add3A_40, %dma_start3A_165] : memref<10240x128xf32, #tpu.memory_space<vmem_shared>> -> memref<40x128xf32, #tpu.memory_space<vmem_shared>>
      %dma_start3A_167 = arith.constant 0 : i32
      %dma_start3A_168 = tpu.memref_slice %arg12[%add3A_40, %dma_start3A_167] : memref<10240x128xf32, #tpu.memory_space<vmem_shared>> -> memref<40x128xf32, #tpu.memory_space<vmem_shared>>
      tpu.enqueue_dma source(%arg7 : memref<40x128xf32, #tpu.memory_space<vmem>>) target(%dma_start3A_168 : memref<40x128xf32, #tpu.memory_space<vmem_shared>>) target_semaphore(%run_scoped3A : memref<!tpu.dma_semaphore, #tpu.memory_space<semaphore_mem>>)
      %dma_wait3A_169 = arith.constant 0 : i32
      %dma_wait3A_170 = tpu.memref_slice %arg12[%add3A_40, %dma_wait3A_169] : memref<10240x128xf32, #tpu.memory_space<vmem_shared>> -> memref<40x128xf32, #tpu.memory_space<vmem_shared>>
      %dma_wait3A_171 = arith.constant 0 : i32
      %dma_wait3A_172 = tpu.memref_slice %arg12[%add3A_40, %dma_wait3A_171] : memref<10240x128xf32, #tpu.memory_space<vmem_shared>> -> memref<40x128xf32, #tpu.memory_space<vmem_shared>>
      tpu.wait_dma2 semaphore(%run_scoped3A : memref<!tpu.dma_semaphore, #tpu.memory_space<semaphore_mem>>) src(%arg7 : memref<40x128xf32, #tpu.memory_space<vmem>>) dst(%dma_wait3A_172 : memref<40x128xf32, #tpu.memory_space<vmem_shared>>)
      tpu.yield
    }) : () -> ()
    %mul3A_41 = arith.constant 10000 : i32
    %mul3A_42 = arith.muli %add3A, %mul3A_41 : i32
    %multiple_of3A_43 = tpu.assume_multiple %mul3A_42, 8 : i32
    "tpu.region"() ({
      %run_scoped3A = tpu.sem_alloc : memref<!tpu.dma_semaphore, #tpu.memory_space<semaphore_mem>>
      %dma_start3A_165 = tpu.memref_slice %arg3[%multiple_of3A_43] : memref<640000xi32, #tpu.memory_space<hbm>> -> memref<10000xi32, #tpu.memory_space<hbm>>
      %dma_start3A_166 = tpu.memref_slice %arg3[%multiple_of3A_43] : memref<640000xi32, #tpu.memory_space<hbm>> -> memref<10000xi32, #tpu.memory_space<hbm>>
      tpu.enqueue_dma source(%dma_start3A_166 : memref<10000xi32, #tpu.memory_space<hbm>>) target(%arg5 : memref<10000xi32, #tpu.memory_space<vmem>>) target_semaphore(%run_scoped3A : memref<!tpu.dma_semaphore, #tpu.memory_space<semaphore_mem>>)
      %dma_wait3A_167 = tpu.memref_slice %arg3[%multiple_of3A_43] : memref<640000xi32, #tpu.memory_space<hbm>> -> memref<10000xi32, #tpu.memory_space<hbm>>
      %dma_wait3A_168 = tpu.memref_slice %arg3[%multiple_of3A_43] : memref<640000xi32, #tpu.memory_space<hbm>> -> memref<10000xi32, #tpu.memory_space<hbm>>
      tpu.wait_dma2 semaphore(%run_scoped3A : memref<!tpu.dma_semaphore, #tpu.memory_space<semaphore_mem>>) src(%dma_wait3A_168 : memref<10000xi32, #tpu.memory_space<hbm>>) dst(%arg5 : memref<10000xi32, #tpu.memory_space<vmem>>)
      tpu.yield
    }) : () -> ()
    %mul3A_44 = arith.constant 10000 : i32
    %mul3A_45 = arith.muli %add3A, %mul3A_44 : i32
    %add3A_46 = arith.constant 320000 : i32
    %add3A_47 = arith.addi %add3A_46, %mul3A_45 : i32
    %multiple_of3A_48 = tpu.assume_multiple %add3A_47, 8 : i32
    "tpu.region"() ({
      %run_scoped3A = tpu.sem_alloc : memref<!tpu.dma_semaphore, #tpu.memory_space<semaphore_mem>>
      %dma_start3A_165 = tpu.memref_slice %arg3[%multiple_of3A_48] : memref<640000xi32, #tpu.memory_space<hbm>> -> memref<10000xi32, #tpu.memory_space<hbm>>
      %dma_start3A_166 = tpu.memref_slice %arg3[%multiple_of3A_48] : memref<640000xi32, #tpu.memory_space<hbm>> -> memref<10000xi32, #tpu.memory_space<hbm>>
      tpu.enqueue_dma source(%dma_start3A_166 : memref<10000xi32, #tpu.memory_space<hbm>>) target(%arg6 : memref<10000xi32, #tpu.memory_space<vmem>>) target_semaphore(%run_scoped3A : memref<!tpu.dma_semaphore, #tpu.memory_space<semaphore_mem>>)
      %dma_wait3A_167 = tpu.memref_slice %arg3[%multiple_of3A_48] : memref<640000xi32, #tpu.memory_space<hbm>> -> memref<10000xi32, #tpu.memory_space<hbm>>
      %dma_wait3A_168 = tpu.memref_slice %arg3[%multiple_of3A_48] : memref<640000xi32, #tpu.memory_space<hbm>> -> memref<10000xi32, #tpu.memory_space<hbm>>
      tpu.wait_dma2 semaphore(%run_scoped3A : memref<!tpu.dma_semaphore, #tpu.memory_space<semaphore_mem>>) src(%dma_wait3A_168 : memref<10000xi32, #tpu.memory_space<hbm>>) dst(%arg6 : memref<10000xi32, #tpu.memory_space<vmem>>)
      tpu.yield
    }) : () -> ()
    %barrier3A = arith.constant 0 : index
    tpu.barrier barrier_id(%barrier3A)
    %multiple_of3A_49 = arith.constant 0 : i32
    %multiple_of3A_50 = tpu.assume_multiple %multiple_of3A_49, 8 : i32
    %dma_start3A = tpu.memref_slice %arg5[%multiple_of3A_50] : memref<10000xi32, #tpu.memory_space<vmem>> -> memref<40xi32, #tpu.memory_space<vmem>>
    %dma_start3A_51 = arith.constant 0 : i32
    %dma_start3A_52 = arith.constant 0 : i32
    %dma_start3A_53 = tpu.memref_slice %arg2[%dma_start3A_51, %dma_start3A_52] : memref<10000x128xf32, #tpu.memory_space<hbm>> -> memref<10000x128xf32, #tpu.memory_space<hbm>>
    tpu.enqueue_indirect_dma source(%dma_start3A_53 : memref<10000x128xf32, #tpu.memory_space<hbm>>) target(%arg7 : memref<40x128xf32, #tpu.memory_space<vmem>>) offsets(%dma_start3A : memref<40xi32, #tpu.memory_space<vmem>>) semaphore(%arg13 : memref<!tpu.dma_semaphore, #tpu.memory_space<semaphore_mem>>)
    %multiple_of3A_54 = arith.constant 40 : i32
    %multiple_of3A_55 = tpu.assume_multiple %multiple_of3A_54, 8 : i32
    %dma_start3A_56 = tpu.memref_slice %arg5[%multiple_of3A_55] : memref<10000xi32, #tpu.memory_space<vmem>> -> memref<40xi32, #tpu.memory_space<vmem>>
    %dma_start3A_57 = arith.constant 0 : i32
    %dma_start3A_58 = arith.constant 0 : i32
    %dma_start3A_59 = tpu.memref_slice %arg2[%dma_start3A_57, %dma_start3A_58] : memref<10000x128xf32, #tpu.memory_space<hbm>> -> memref<10000x128xf32, #tpu.memory_space<hbm>>
    tpu.enqueue_indirect_dma source(%dma_start3A_59 : memref<10000x128xf32, #tpu.memory_space<hbm>>) target(%arg8 : memref<40x128xf32, #tpu.memory_space<vmem>>) offsets(%dma_start3A_56 : memref<40xi32, #tpu.memory_space<vmem>>) semaphore(%arg14 : memref<!tpu.dma_semaphore, #tpu.memory_space<semaphore_mem>>)
    %multiple_of3A_60 = arith.constant 80 : i32
    %multiple_of3A_61 = tpu.assume_multiple %multiple_of3A_60, 8 : i32
    %dma_start3A_62 = tpu.memref_slice %arg5[%multiple_of3A_61] : memref<10000xi32, #tpu.memory_space<vmem>> -> memref<40xi32, #tpu.memory_space<vmem>>
    %dma_start3A_63 = arith.constant 0 : i32
    %dma_start3A_64 = arith.constant 0 : i32
    %dma_start3A_65 = tpu.memref_slice %arg2[%dma_start3A_63, %dma_start3A_64] : memref<10000x128xf32, #tpu.memory_space<hbm>> -> memref<10000x128xf32, #tpu.memory_space<hbm>>
    tpu.enqueue_indirect_dma source(%dma_start3A_65 : memref<10000x128xf32, #tpu.memory_space<hbm>>) target(%arg9 : memref<40x128xf32, #tpu.memory_space<vmem>>) offsets(%dma_start3A_62 : memref<40xi32, #tpu.memory_space<vmem>>) semaphore(%arg15 : memref<!tpu.dma_semaphore, #tpu.memory_space<semaphore_mem>>)
    %multiple_of3A_66 = arith.constant 120 : i32
    %multiple_of3A_67 = tpu.assume_multiple %multiple_of3A_66, 8 : i32
    %dma_start3A_68 = tpu.memref_slice %arg5[%multiple_of3A_67] : memref<10000xi32, #tpu.memory_space<vmem>> -> memref<40xi32, #tpu.memory_space<vmem>>
    %dma_start3A_69 = arith.constant 0 : i32
    %dma_start3A_70 = arith.constant 0 : i32
    %dma_start3A_71 = tpu.memref_slice %arg2[%dma_start3A_69, %dma_start3A_70] : memref<10000x128xf32, #tpu.memory_space<hbm>> -> memref<10000x128xf32, #tpu.memory_space<hbm>>
    tpu.enqueue_indirect_dma source(%dma_start3A_71 : memref<10000x128xf32, #tpu.memory_space<hbm>>) target(%arg10 : memref<40x128xf32, #tpu.memory_space<vmem>>) offsets(%dma_start3A_68 : memref<40xi32, #tpu.memory_space<vmem>>) semaphore(%arg16 : memref<!tpu.dma_semaphore, #tpu.memory_space<semaphore_mem>>)
    %multiple_of3A_72 = arith.constant 160 : i32
    %multiple_of3A_73 = tpu.assume_multiple %multiple_of3A_72, 8 : i32
    %dma_start3A_74 = tpu.memref_slice %arg5[%multiple_of3A_73] : memref<10000xi32, #tpu.memory_space<vmem>> -> memref<40xi32, #tpu.memory_space<vmem>>
    %dma_start3A_75 = arith.constant 0 : i32
    %dma_start3A_76 = arith.constant 0 : i32
    %dma_start3A_77 = tpu.memref_slice %arg2[%dma_start3A_75, %dma_start3A_76] : memref<10000x128xf32, #tpu.memory_space<hbm>> -> memref<10000x128xf32, #tpu.memory_space<hbm>>
    tpu.enqueue_indirect_dma source(%dma_start3A_77 : memref<10000x128xf32, #tpu.memory_space<hbm>>) target(%arg11 : memref<40x128xf32, #tpu.memory_space<vmem>>) offsets(%dma_start3A_74 : memref<40xi32, #tpu.memory_space<vmem>>) semaphore(%arg17 : memref<!tpu.dma_semaphore, #tpu.memory_space<semaphore_mem>>)
    %dma_wait3A = arith.constant 0 : i32
    %dma_wait3A_78 = tpu.memref_slice %arg5[%dma_wait3A] : memref<10000xi32, #tpu.memory_space<vmem>> -> memref<40xi32, #tpu.memory_space<vmem>>
    %dma_wait3A_79 = arith.constant 0 : i32
    %dma_wait3A_80 = arith.constant 0 : i32
    %dma_wait3A_81 = tpu.memref_slice %arg2[%dma_wait3A_79, %dma_wait3A_80] : memref<10000x128xf32, #tpu.memory_space<hbm>> -> memref<10000x128xf32, #tpu.memory_space<hbm>>
    tpu.wait_indirect_dma semaphore(%arg13 : memref<!tpu.dma_semaphore, #tpu.memory_space<semaphore_mem>>) src(%dma_wait3A_81 : memref<10000x128xf32, #tpu.memory_space<hbm>>) dst(%arg7 : memref<40x128xf32, #tpu.memory_space<vmem>>)
    %multiple_of3A_82 = arith.constant 0 : i32
    %multiple_of3A_83 = tpu.assume_multiple %multiple_of3A_82, 8 : i32
    %dma_start3A_84 = tpu.memref_slice %arg6[%multiple_of3A_83] : memref<10000xi32, #tpu.memory_space<vmem>> -> memref<40xi32, #tpu.memory_space<vmem>>
    %dma_start3A_85 = arith.constant 0 : i32
    %dma_start3A_86 = arith.constant 0 : i32
    %dma_start3A_87 = tpu.memref_slice %arg12[%dma_start3A_85, %dma_start3A_86] : memref<10240x128xf32, #tpu.memory_space<vmem_shared>> -> memref<10240x128xf32, #tpu.memory_space<vmem_shared>>
    tpu.enqueue_indirect_dma source(%arg7 : memref<40x128xf32, #tpu.memory_space<vmem>>) target(%dma_start3A_87 : memref<10240x128xf32, #tpu.memory_space<vmem_shared>>) offsets(%dma_start3A_84 : memref<40xi32, #tpu.memory_space<vmem>>) semaphore(%arg18 : memref<!tpu.dma_semaphore, #tpu.memory_space<semaphore_mem>>) {add = true}
    %dma_wait3A_88 = arith.constant 0 : i32
    %dma_wait3A_89 = tpu.memref_slice %arg5[%dma_wait3A_88] : memref<10000xi32, #tpu.memory_space<vmem>> -> memref<40xi32, #tpu.memory_space<vmem>>
    %dma_wait3A_90 = arith.constant 0 : i32
    %dma_wait3A_91 = arith.constant 0 : i32
    %dma_wait3A_92 = tpu.memref_slice %arg2[%dma_wait3A_90, %dma_wait3A_91] : memref<10000x128xf32, #tpu.memory_space<hbm>> -> memref<10000x128xf32, #tpu.memory_space<hbm>>
    tpu.wait_indirect_dma semaphore(%arg14 : memref<!tpu.dma_semaphore, #tpu.memory_space<semaphore_mem>>) src(%dma_wait3A_92 : memref<10000x128xf32, #tpu.memory_space<hbm>>) dst(%arg8 : memref<40x128xf32, #tpu.memory_space<vmem>>)
    %multiple_of3A_93 = arith.constant 40 : i32
    %multiple_of3A_94 = tpu.assume_multiple %multiple_of3A_93, 8 : i32
    %dma_start3A_95 = tpu.memref_slice %arg6[%multiple_of3A_94] : memref<10000xi32, #tpu.memory_space<vmem>> -> memref<40xi32, #tpu.memory_space<vmem>>
    %dma_start3A_96 = arith.constant 0 : i32
    %dma_start3A_97 = arith.constant 0 : i32
    %dma_start3A_98 = tpu.memref_slice %arg12[%dma_start3A_96, %dma_start3A_97] : memref<10240x128xf32, #tpu.memory_space<vmem_shared>> -> memref<10240x128xf32, #tpu.memory_space<vmem_shared>>
    tpu.enqueue_indirect_dma source(%arg8 : memref<40x128xf32, #tpu.memory_space<vmem>>) target(%dma_start3A_98 : memref<10240x128xf32, #tpu.memory_space<vmem_shared>>) offsets(%dma_start3A_95 : memref<40xi32, #tpu.memory_space<vmem>>) semaphore(%arg19 : memref<!tpu.dma_semaphore, #tpu.memory_space<semaphore_mem>>) {add = true}
    %scan3A_99 = arith.constant 0 : i32
    %scan3A_100 = arith.constant 1 : i32
    %scan3A_101 = arith.constant 49 : i32
    %scan3A_102 = arith.addi %scan3A_100, %scan3A_101 : i32
    %scan3A_103 = arith.constant 1 : i32
    %scan3A_104 = scf.for %scan3A_165 = %scan3A_100 to %scan3A_102 step %scan3A_103 iter_args(%scan3A_166 = %scan3A_99) -> (i32)  : i32 {
      %mul3A_167 = arith.constant 5 : i32
      %mul3A_168 = arith.muli %scan3A_165, %mul3A_167 : i32
      %add3A_169 = arith.constant 0 : i32
      %add3A_170 = arith.addi %mul3A_168, %add3A_169 : i32
      %dma_wait3A_171 = arith.constant 0 : i32
      %dma_wait3A_172 = tpu.memref_slice %arg6[%dma_wait3A_171] : memref<10000xi32, #tpu.memory_space<vmem>> -> memref<40xi32, #tpu.memory_space<vmem>>
      %dma_wait3A_173 = arith.constant 0 : i32
      %dma_wait3A_174 = arith.constant 0 : i32
      %dma_wait3A_175 = tpu.memref_slice %arg12[%dma_wait3A_173, %dma_wait3A_174] : memref<10240x128xf32, #tpu.memory_space<vmem_shared>> -> memref<10240x128xf32, #tpu.memory_space<vmem_shared>>
      tpu.wait_indirect_dma semaphore(%arg18 : memref<!tpu.dma_semaphore, #tpu.memory_space<semaphore_mem>>) src(%arg7 : memref<40x128xf32, #tpu.memory_space<vmem>>) dst(%dma_wait3A_175 : memref<10240x128xf32, #tpu.memory_space<vmem_shared>>)
      %mul3A_176 = arith.constant 40 : i32
      %mul3A_177 = arith.muli %add3A_170, %mul3A_176 : i32
      %multiple_of3A_178 = tpu.assume_multiple %mul3A_177, 8 : i32
      %dma_start3A_179 = tpu.memref_slice %arg5[%multiple_of3A_178] : memref<10000xi32, #tpu.memory_space<vmem>> -> memref<40xi32, #tpu.memory_space<vmem>>
      %dma_start3A_180 = arith.constant 0 : i32
      %dma_start3A_181 = arith.constant 0 : i32
      %dma_start3A_182 = tpu.memref_slice %arg2[%dma_start3A_180, %dma_start3A_181] : memref<10000x128xf32, #tpu.memory_space<hbm>> -> memref<10000x128xf32, #tpu.memory_space<hbm>>
      tpu.enqueue_indirect_dma source(%dma_start3A_182 : memref<10000x128xf32, #tpu.memory_space<hbm>>) target(%arg7 : memref<40x128xf32, #tpu.memory_space<vmem>>) offsets(%dma_start3A_179 : memref<40xi32, #tpu.memory_space<vmem>>) semaphore(%arg13 : memref<!tpu.dma_semaphore, #tpu.memory_space<semaphore_mem>>)
      %sub3A = arith.constant 3 : i32
      %sub3A_183 = arith.subi %add3A_170, %sub3A : i32
      %dma_wait3A_184 = arith.constant 0 : i32
      %dma_wait3A_185 = tpu.memref_slice %arg5[%dma_wait3A_184] : memref<10000xi32, #tpu.memory_space<vmem>> -> memref<40xi32, #tpu.memory_space<vmem>>
      %dma_wait3A_186 = arith.constant 0 : i32
      %dma_wait3A_187 = arith.constant 0 : i32
      %dma_wait3A_188 = tpu.memref_slice %arg2[%dma_wait3A_186, %dma_wait3A_187] : memref<10000x128xf32, #tpu.memory_space<hbm>> -> memref<10000x128xf32, #tpu.memory_space<hbm>>
      tpu.wait_indirect_dma semaphore(%arg15 : memref<!tpu.dma_semaphore, #tpu.memory_space<semaphore_mem>>) src(%dma_wait3A_188 : memref<10000x128xf32, #tpu.memory_space<hbm>>) dst(%arg9 : memref<40x128xf32, #tpu.memory_space<vmem>>)
      %mul3A_189 = arith.constant 40 : i32
      %mul3A_190 = arith.muli %sub3A_183, %mul3A_189 : i32
      %multiple_of3A_191 = tpu.assume_multiple %mul3A_190, 8 : i32
      %dma_start3A_192 = tpu.memref_slice %arg6[%multiple_of3A_191] : memref<10000xi32, #tpu.memory_space<vmem>> -> memref<40xi32, #tpu.memory_space<vmem>>
      %dma_start3A_193 = arith.constant 0 : i32
      %dma_start3A_194 = arith.constant 0 : i32
      %dma_start3A_195 = tpu.memref_slice %arg12[%dma_start3A_193, %dma_start3A_194] : memref<10240x128xf32, #tpu.memory_space<vmem_shared>> -> memref<10240x128xf32, #tpu.memory_space<vmem_shared>>
      tpu.enqueue_indirect_dma source(%arg9 : memref<40x128xf32, #tpu.memory_space<vmem>>) target(%dma_start3A_195 : memref<10240x128xf32, #tpu.memory_space<vmem_shared>>) offsets(%dma_start3A_192 : memref<40xi32, #tpu.memory_space<vmem>>) semaphore(%arg20 : memref<!tpu.dma_semaphore, #tpu.memory_space<semaphore_mem>>) {add = true}
      %mul3A_196 = arith.constant 5 : i32
      %mul3A_197 = arith.muli %scan3A_165, %mul3A_196 : i32
      %add3A_198 = arith.constant 1 : i32
      %add3A_199 = arith.addi %mul3A_197, %add3A_198 : i32
      %dma_wait3A_200 = arith.constant 0 : i32
      %dma_wait3A_201 = tpu.memref_slice %arg6[%dma_wait3A_200] : memref<10000xi32, #tpu.memory_space<vmem>> -> memref<40xi32, #tpu.memory_space<vmem>>
      %dma_wait3A_202 = arith.constant 0 : i32
      %dma_wait3A_203 = arith.constant 0 : i32
      %dma_wait3A_204 = tpu.memref_slice %arg12[%dma_wait3A_202, %dma_wait3A_203] : memref<10240x128xf32, #tpu.memory_space<vmem_shared>> -> memref<10240x128xf32, #tpu.memory_space<vmem_shared>>
      tpu.wait_indirect_dma semaphore(%arg19 : memref<!tpu.dma_semaphore, #tpu.memory_space<semaphore_mem>>) src(%arg8 : memref<40x128xf32, #tpu.memory_space<vmem>>) dst(%dma_wait3A_204 : memref<10240x128xf32, #tpu.memory_space<vmem_shared>>)
      %mul3A_205 = arith.constant 40 : i32
      %mul3A_206 = arith.muli %add3A_199, %mul3A_205 : i32
      %multiple_of3A_207 = tpu.assume_multiple %mul3A_206, 8 : i32
      %dma_start3A_208 = tpu.memref_slice %arg5[%multiple_of3A_207] : memref<10000xi32, #tpu.memory_space<vmem>> -> memref<40xi32, #tpu.memory_space<vmem>>
      %dma_start3A_209 = arith.constant 0 : i32
      %dma_start3A_210 = arith.constant 0 : i32
      %dma_start3A_211 = tpu.memref_slice %arg2[%dma_start3A_209, %dma_start3A_210] : memref<10000x128xf32, #tpu.memory_space<hbm>> -> memref<10000x128xf32, #tpu.memory_space<hbm>>
      tpu.enqueue_indirect_dma source(%dma_start3A_211 : memref<10000x128xf32, #tpu.memory_space<hbm>>) target(%arg8 : memref<40x128xf32, #tpu.memory_space<vmem>>) offsets(%dma_start3A_208 : memref<40xi32, #tpu.memory_space<vmem>>) semaphore(%arg14 : memref<!tpu.dma_semaphore, #tpu.memory_space<semaphore_mem>>)
      %sub3A_212 = arith.constant 3 : i32
      %sub3A_213 = arith.subi %add3A_199, %sub3A_212 : i32
      %dma_wait3A_214 = arith.constant 0 : i32
      %dma_wait3A_215 = tpu.memref_slice %arg5[%dma_wait3A_214] : memref<10000xi32, #tpu.memory_space<vmem>> -> memref<40xi32, #tpu.memory_space<vmem>>
      %dma_wait3A_216 = arith.constant 0 : i32
      %dma_wait3A_217 = arith.constant 0 : i32
      %dma_wait3A_218 = tpu.memref_slice %arg2[%dma_wait3A_216, %dma_wait3A_217] : memref<10000x128xf32, #tpu.memory_space<hbm>> -> memref<10000x128xf32, #tpu.memory_space<hbm>>
      tpu.wait_indirect_dma semaphore(%arg16 : memref<!tpu.dma_semaphore, #tpu.memory_space<semaphore_mem>>) src(%dma_wait3A_218 : memref<10000x128xf32, #tpu.memory_space<hbm>>) dst(%arg10 : memref<40x128xf32, #tpu.memory_space<vmem>>)
      %mul3A_219 = arith.constant 40 : i32
      %mul3A_220 = arith.muli %sub3A_213, %mul3A_219 : i32
      %multiple_of3A_221 = tpu.assume_multiple %mul3A_220, 8 : i32
      %dma_start3A_222 = tpu.memref_slice %arg6[%multiple_of3A_221] : memref<10000xi32, #tpu.memory_space<vmem>> -> memref<40xi32, #tpu.memory_space<vmem>>
      %dma_start3A_223 = arith.constant 0 : i32
      %dma_start3A_224 = arith.constant 0 : i32
      %dma_start3A_225 = tpu.memref_slice %arg12[%dma_start3A_223, %dma_start3A_224] : memref<10240x128xf32, #tpu.memory_space<vmem_shared>> -> memref<10240x128xf32, #tpu.memory_space<vmem_shared>>
      tpu.enqueue_indirect_dma source(%arg10 : memref<40x128xf32, #tpu.memory_space<vmem>>) target(%dma_start3A_225 : memref<10240x128xf32, #tpu.memory_space<vmem_shared>>) offsets(%dma_start3A_222 : memref<40xi32, #tpu.memory_space<vmem>>) semaphore(%arg21 : memref<!tpu.dma_semaphore, #tpu.memory_space<semaphore_mem>>) {add = true}
      %mul3A_226 = arith.constant 5 : i32
      %mul3A_227 = arith.muli %scan3A_165, %mul3A_226 : i32
      %add3A_228 = arith.constant 2 : i32
      %add3A_229 = arith.addi %mul3A_227, %add3A_228 : i32
      %dma_wait3A_230 = arith.constant 0 : i32
      %dma_wait3A_231 = tpu.memref_slice %arg6[%dma_wait3A_230] : memref<10000xi32, #tpu.memory_space<vmem>> -> memref<40xi32, #tpu.memory_space<vmem>>
      %dma_wait3A_232 = arith.constant 0 : i32
      %dma_wait3A_233 = arith.constant 0 : i32
      %dma_wait3A_234 = tpu.memref_slice %arg12[%dma_wait3A_232, %dma_wait3A_233] : memref<10240x128xf32, #tpu.memory_space<vmem_shared>> -> memref<10240x128xf32, #tpu.memory_space<vmem_shared>>
      tpu.wait_indirect_dma semaphore(%arg20 : memref<!tpu.dma_semaphore, #tpu.memory_space<semaphore_mem>>) src(%arg9 : memref<40x128xf32, #tpu.memory_space<vmem>>) dst(%dma_wait3A_234 : memref<10240x128xf32, #tpu.memory_space<vmem_shared>>)
      %mul3A_235 = arith.constant 40 : i32
      %mul3A_236 = arith.muli %add3A_229, %mul3A_235 : i32
      %multiple_of3A_237 = tpu.assume_multiple %mul3A_236, 8 : i32
      %dma_start3A_238 = tpu.memref_slice %arg5[%multiple_of3A_237] : memref<10000xi32, #tpu.memory_space<vmem>> -> memref<40xi32, #tpu.memory_space<vmem>>
      %dma_start3A_239 = arith.constant 0 : i32
      %dma_start3A_240 = arith.constant 0 : i32
      %dma_start3A_241 = tpu.memref_slice %arg2[%dma_start3A_239, %dma_start3A_240] : memref<10000x128xf32, #tpu.memory_space<hbm>> -> memref<10000x128xf32, #tpu.memory_space<hbm>>
      tpu.enqueue_indirect_dma source(%dma_start3A_241 : memref<10000x128xf32, #tpu.memory_space<hbm>>) target(%arg9 : memref<40x128xf32, #tpu.memory_space<vmem>>) offsets(%dma_start3A_238 : memref<40xi32, #tpu.memory_space<vmem>>) semaphore(%arg15 : memref<!tpu.dma_semaphore, #tpu.memory_space<semaphore_mem>>)
      %sub3A_242 = arith.constant 3 : i32
      %sub3A_243 = arith.subi %add3A_229, %sub3A_242 : i32
      %dma_wait3A_244 = arith.constant 0 : i32
      %dma_wait3A_245 = tpu.memref_slice %arg5[%dma_wait3A_244] : memref<10000xi32, #tpu.memory_space<vmem>> -> memref<40xi32, #tpu.memory_space<vmem>>
      %dma_wait3A_246 = arith.constant 0 : i32
      %dma_wait3A_247 = arith.constant 0 : i32
      %dma_wait3A_248 = tpu.memref_slice %arg2[%dma_wait3A_246, %dma_wait3A_247] : memref<10000x128xf32, #tpu.memory_space<hbm>> -> memref<10000x128xf32, #tpu.memory_space<hbm>>
      tpu.wait_indirect_dma semaphore(%arg17 : memref<!tpu.dma_semaphore, #tpu.memory_space<semaphore_mem>>) src(%dma_wait3A_248 : memref<10000x128xf32, #tpu.memory_space<hbm>>) dst(%arg11 : memref<40x128xf32, #tpu.memory_space<vmem>>)
      %mul3A_249 = arith.constant 40 : i32
      %mul3A_250 = arith.muli %sub3A_243, %mul3A_249 : i32
      %multiple_of3A_251 = tpu.assume_multiple %mul3A_250, 8 : i32
      %dma_start3A_252 = tpu.memref_slice %arg6[%multiple_of3A_251] : memref<10000xi32, #tpu.memory_space<vmem>> -> memref<40xi32, #tpu.memory_space<vmem>>
      %dma_start3A_253 = arith.constant 0 : i32
      %dma_start3A_254 = arith.constant 0 : i32
      %dma_start3A_255 = tpu.memref_slice %arg12[%dma_start3A_253, %dma_start3A_254] : memref<10240x128xf32, #tpu.memory_space<vmem_shared>> -> memref<10240x128xf32, #tpu.memory_space<vmem_shared>>
      tpu.enqueue_indirect_dma source(%arg11 : memref<40x128xf32, #tpu.memory_space<vmem>>) target(%dma_start3A_255 : memref<10240x128xf32, #tpu.memory_space<vmem_shared>>) offsets(%dma_start3A_252 : memref<40xi32, #tpu.memory_space<vmem>>) semaphore(%arg22 : memref<!tpu.dma_semaphore, #tpu.memory_space<semaphore_mem>>) {add = true}
      %mul3A_256 = arith.constant 5 : i32
      %mul3A_257 = arith.muli %scan3A_165, %mul3A_256 : i32
      %add3A_258 = arith.constant 3 : i32
      %add3A_259 = arith.addi %mul3A_257, %add3A_258 : i32
      %dma_wait3A_260 = arith.constant 0 : i32
      %dma_wait3A_261 = tpu.memref_slice %arg6[%dma_wait3A_260] : memref<10000xi32, #tpu.memory_space<vmem>> -> memref<40xi32, #tpu.memory_space<vmem>>
      %dma_wait3A_262 = arith.constant 0 : i32
      %dma_wait3A_263 = arith.constant 0 : i32
      %dma_wait3A_264 = tpu.memref_slice %arg12[%dma_wait3A_262, %dma_wait3A_263] : memref<10240x128xf32, #tpu.memory_space<vmem_shared>> -> memref<10240x128xf32, #tpu.memory_space<vmem_shared>>
      tpu.wait_indirect_dma semaphore(%arg21 : memref<!tpu.dma_semaphore, #tpu.memory_space<semaphore_mem>>) src(%arg10 : memref<40x128xf32, #tpu.memory_space<vmem>>) dst(%dma_wait3A_264 : memref<10240x128xf32, #tpu.memory_space<vmem_shared>>)
      %mul3A_265 = arith.constant 40 : i32
      %mul3A_266 = arith.muli %add3A_259, %mul3A_265 : i32
      %multiple_of3A_267 = tpu.assume_multiple %mul3A_266, 8 : i32
      %dma_start3A_268 = tpu.memref_slice %arg5[%multiple_of3A_267] : memref<10000xi32, #tpu.memory_space<vmem>> -> memref<40xi32, #tpu.memory_space<vmem>>
      %dma_start3A_269 = arith.constant 0 : i32
      %dma_start3A_270 = arith.constant 0 : i32
      %dma_start3A_271 = tpu.memref_slice %arg2[%dma_start3A_269, %dma_start3A_270] : memref<10000x128xf32, #tpu.memory_space<hbm>> -> memref<10000x128xf32, #tpu.memory_space<hbm>>
      tpu.enqueue_indirect_dma source(%dma_start3A_271 : memref<10000x128xf32, #tpu.memory_space<hbm>>) target(%arg10 : memref<40x128xf32, #tpu.memory_space<vmem>>) offsets(%dma_start3A_268 : memref<40xi32, #tpu.memory_space<vmem>>) semaphore(%arg16 : memref<!tpu.dma_semaphore, #tpu.memory_space<semaphore_mem>>)
      %sub3A_272 = arith.constant 3 : i32
      %sub3A_273 = arith.subi %add3A_259, %sub3A_272 : i32
      %dma_wait3A_274 = arith.constant 0 : i32
      %dma_wait3A_275 = tpu.memref_slice %arg5[%dma_wait3A_274] : memref<10000xi32, #tpu.memory_space<vmem>> -> memref<40xi32, #tpu.memory_space<vmem>>
      %dma_wait3A_276 = arith.constant 0 : i32
      %dma_wait3A_277 = arith.constant 0 : i32
      %dma_wait3A_278 = tpu.memref_slice %arg2[%dma_wait3A_276, %dma_wait3A_277] : memref<10000x128xf32, #tpu.memory_space<hbm>> -> memref<10000x128xf32, #tpu.memory_space<hbm>>
      tpu.wait_indirect_dma semaphore(%arg13 : memref<!tpu.dma_semaphore, #tpu.memory_space<semaphore_mem>>) src(%dma_wait3A_278 : memref<10000x128xf32, #tpu.memory_space<hbm>>) dst(%arg7 : memref<40x128xf32, #tpu.memory_space<vmem>>)
      %mul3A_279 = arith.constant 40 : i32
      %mul3A_280 = arith.muli %sub3A_273, %mul3A_279 : i32
      %multiple_of3A_281 = tpu.assume_multiple %mul3A_280, 8 : i32
      %dma_start3A_282 = tpu.memref_slice %arg6[%multiple_of3A_281] : memref<10000xi32, #tpu.memory_space<vmem>> -> memref<40xi32, #tpu.memory_space<vmem>>
      %dma_start3A_283 = arith.constant 0 : i32
      %dma_start3A_284 = arith.constant 0 : i32
      %dma_start3A_285 = tpu.memref_slice %arg12[%dma_start3A_283, %dma_start3A_284] : memref<10240x128xf32, #tpu.memory_space<vmem_shared>> -> memref<10240x128xf32, #tpu.memory_space<vmem_shared>>
      tpu.enqueue_indirect_dma source(%arg7 : memref<40x128xf32, #tpu.memory_space<vmem>>) target(%dma_start3A_285 : memref<10240x128xf32, #tpu.memory_space<vmem_shared>>) offsets(%dma_start3A_282 : memref<40xi32, #tpu.memory_space<vmem>>) semaphore(%arg18 : memref<!tpu.dma_semaphore, #tpu.memory_space<semaphore_mem>>) {add = true}
      %mul3A_286 = arith.constant 5 : i32
      %mul3A_287 = arith.muli %scan3A_165, %mul3A_286 : i32
      %add3A_288 = arith.constant 4 : i32
      %add3A_289 = arith.addi %mul3A_287, %add3A_288 : i32
      %dma_wait3A_290 = arith.constant 0 : i32
      %dma_wait3A_291 = tpu.memref_slice %arg6[%dma_wait3A_290] : memref<10000xi32, #tpu.memory_space<vmem>> -> memref<40xi32, #tpu.memory_space<vmem>>
      %dma_wait3A_292 = arith.constant 0 : i32
      %dma_wait3A_293 = arith.constant 0 : i32
      %dma_wait3A_294 = tpu.memref_slice %arg12[%dma_wait3A_292, %dma_wait3A_293] : memref<10240x128xf32, #tpu.memory_space<vmem_shared>> -> memref<10240x128xf32, #tpu.memory_space<vmem_shared>>
      tpu.wait_indirect_dma semaphore(%arg22 : memref<!tpu.dma_semaphore, #tpu.memory_space<semaphore_mem>>) src(%arg11 : memref<40x128xf32, #tpu.memory_space<vmem>>) dst(%dma_wait3A_294 : memref<10240x128xf32, #tpu.memory_space<vmem_shared>>)
      %mul3A_295 = arith.constant 40 : i32
      %mul3A_296 = arith.muli %add3A_289, %mul3A_295 : i32
      %multiple_of3A_297 = tpu.assume_multiple %mul3A_296, 8 : i32
      %dma_start3A_298 = tpu.memref_slice %arg5[%multiple_of3A_297] : memref<10000xi32, #tpu.memory_space<vmem>> -> memref<40xi32, #tpu.memory_space<vmem>>
      %dma_start3A_299 = arith.constant 0 : i32
      %dma_start3A_300 = arith.constant 0 : i32
      %dma_start3A_301 = tpu.memref_slice %arg2[%dma_start3A_299, %dma_start3A_300] : memref<10000x128xf32, #tpu.memory_space<hbm>> -> memref<10000x128xf32, #tpu.memory_space<hbm>>
      tpu.enqueue_indirect_dma source(%dma_start3A_301 : memref<10000x128xf32, #tpu.memory_space<hbm>>) target(%arg11 : memref<40x128xf32, #tpu.memory_space<vmem>>) offsets(%dma_start3A_298 : memref<40xi32, #tpu.memory_space<vmem>>) semaphore(%arg17 : memref<!tpu.dma_semaphore, #tpu.memory_space<semaphore_mem>>)
      %sub3A_302 = arith.constant 3 : i32
      %sub3A_303 = arith.subi %add3A_289, %sub3A_302 : i32
      %dma_wait3A_304 = arith.constant 0 : i32
      %dma_wait3A_305 = tpu.memref_slice %arg5[%dma_wait3A_304] : memref<10000xi32, #tpu.memory_space<vmem>> -> memref<40xi32, #tpu.memory_space<vmem>>
      %dma_wait3A_306 = arith.constant 0 : i32
      %dma_wait3A_307 = arith.constant 0 : i32
      %dma_wait3A_308 = tpu.memref_slice %arg2[%dma_wait3A_306, %dma_wait3A_307] : memref<10000x128xf32, #tpu.memory_space<hbm>> -> memref<10000x128xf32, #tpu.memory_space<hbm>>
      tpu.wait_indirect_dma semaphore(%arg14 : memref<!tpu.dma_semaphore, #tpu.memory_space<semaphore_mem>>) src(%dma_wait3A_308 : memref<10000x128xf32, #tpu.memory_space<hbm>>) dst(%arg8 : memref<40x128xf32, #tpu.memory_space<vmem>>)
      %mul3A_309 = arith.constant 40 : i32
      %mul3A_310 = arith.muli %sub3A_303, %mul3A_309 : i32
      %multiple_of3A_311 = tpu.assume_multiple %mul3A_310, 8 : i32
      %dma_start3A_312 = tpu.memref_slice %arg6[%multiple_of3A_311] : memref<10000xi32, #tpu.memory_space<vmem>> -> memref<40xi32, #tpu.memory_space<vmem>>
      %dma_start3A_313 = arith.constant 0 : i32
      %dma_start3A_314 = arith.constant 0 : i32
      %dma_start3A_315 = tpu.memref_slice %arg12[%dma_start3A_313, %dma_start3A_314] : memref<10240x128xf32, #tpu.memory_space<vmem_shared>> -> memref<10240x128xf32, #tpu.memory_space<vmem_shared>>
      tpu.enqueue_indirect_dma source(%arg8 : memref<40x128xf32, #tpu.memory_space<vmem>>) target(%dma_start3A_315 : memref<10240x128xf32, #tpu.memory_space<vmem_shared>>) offsets(%dma_start3A_312 : memref<40xi32, #tpu.memory_space<vmem>>) semaphore(%arg19 : memref<!tpu.dma_semaphore, #tpu.memory_space<semaphore_mem>>) {add = true}
      %scan3A_316 = arith.constant 0 : i32
      scf.yield %scan3A_316 : i32
    }
    %scan3A_105 = arith.constant 49 : i32
    %dma_wait3A_106 = arith.constant 0 : i32
    %dma_wait3A_107 = tpu.memref_slice %arg5[%dma_wait3A_106] : memref<10000xi32, #tpu.memory_space<vmem>> -> memref<40xi32, #tpu.memory_space<vmem>>
    %dma_wait3A_108 = arith.constant 0 : i32
    %dma_wait3A_109 = arith.constant 0 : i32
    %dma_wait3A_110 = tpu.memref_slice %arg2[%dma_wait3A_108, %dma_wait3A_109] : memref<10000x128xf32, #tpu.memory_space<hbm>> -> memref<10000x128xf32, #tpu.memory_space<hbm>>
    tpu.wait_indirect_dma semaphore(%arg15 : memref<!tpu.dma_semaphore, #tpu.memory_space<semaphore_mem>>) src(%dma_wait3A_110 : memref<10000x128xf32, #tpu.memory_space<hbm>>) dst(%arg9 : memref<40x128xf32, #tpu.memory_space<vmem>>)
    %multiple_of3A_111 = arith.constant 9880 : i32
    %multiple_of3A_112 = tpu.assume_multiple %multiple_of3A_111, 8 : i32
    %dma_start3A_113 = tpu.memref_slice %arg6[%multiple_of3A_112] : memref<10000xi32, #tpu.memory_space<vmem>> -> memref<40xi32, #tpu.memory_space<vmem>>
    %dma_start3A_114 = arith.constant 0 : i32
    %dma_start3A_115 = arith.constant 0 : i32
    %dma_start3A_116 = tpu.memref_slice %arg12[%dma_start3A_114, %dma_start3A_115] : memref<10240x128xf32, #tpu.memory_space<vmem_shared>> -> memref<10240x128xf32, #tpu.memory_space<vmem_shared>>
    tpu.enqueue_indirect_dma source(%arg9 : memref<40x128xf32, #tpu.memory_space<vmem>>) target(%dma_start3A_116 : memref<10240x128xf32, #tpu.memory_space<vmem_shared>>) offsets(%dma_start3A_113 : memref<40xi32, #tpu.memory_space<vmem>>) semaphore(%arg20 : memref<!tpu.dma_semaphore, #tpu.memory_space<semaphore_mem>>) {add = true}
    %dma_wait3A_117 = arith.constant 0 : i32
    %dma_wait3A_118 = tpu.memref_slice %arg5[%dma_wait3A_117] : memref<10000xi32, #tpu.memory_space<vmem>> -> memref<40xi32, #tpu.memory_space<vmem>>
    %dma_wait3A_119 = arith.constant 0 : i32
    %dma_wait3A_120 = arith.constant 0 : i32
    %dma_wait3A_121 = tpu.memref_slice %arg2[%dma_wait3A_119, %dma_wait3A_120] : memref<10000x128xf32, #tpu.memory_space<hbm>> -> memref<10000x128xf32, #tpu.memory_space<hbm>>
    tpu.wait_indirect_dma semaphore(%arg16 : memref<!tpu.dma_semaphore, #tpu.memory_space<semaphore_mem>>) src(%dma_wait3A_121 : memref<10000x128xf32, #tpu.memory_space<hbm>>) dst(%arg10 : memref<40x128xf32, #tpu.memory_space<vmem>>)
    %multiple_of3A_122 = arith.constant 9920 : i32
    %multiple_of3A_123 = tpu.assume_multiple %multiple_of3A_122, 8 : i32
    %dma_start3A_124 = tpu.memref_slice %arg6[%multiple_of3A_123] : memref<10000xi32, #tpu.memory_space<vmem>> -> memref<40xi32, #tpu.memory_space<vmem>>
    %dma_start3A_125 = arith.constant 0 : i32
    %dma_start3A_126 = arith.constant 0 : i32
    %dma_start3A_127 = tpu.memref_slice %arg12[%dma_start3A_125, %dma_start3A_126] : memref<10240x128xf32, #tpu.memory_space<vmem_shared>> -> memref<10240x128xf32, #tpu.memory_space<vmem_shared>>
    tpu.enqueue_indirect_dma source(%arg10 : memref<40x128xf32, #tpu.memory_space<vmem>>) target(%dma_start3A_127 : memref<10240x128xf32, #tpu.memory_space<vmem_shared>>) offsets(%dma_start3A_124 : memref<40xi32, #tpu.memory_space<vmem>>) semaphore(%arg21 : memref<!tpu.dma_semaphore, #tpu.memory_space<semaphore_mem>>) {add = true}
    %dma_wait3A_128 = arith.constant 0 : i32
    %dma_wait3A_129 = tpu.memref_slice %arg5[%dma_wait3A_128] : memref<10000xi32, #tpu.memory_space<vmem>> -> memref<40xi32, #tpu.memory_space<vmem>>
    %dma_wait3A_130 = arith.constant 0 : i32
    %dma_wait3A_131 = arith.constant 0 : i32
    %dma_wait3A_132 = tpu.memref_slice %arg2[%dma_wait3A_130, %dma_wait3A_131] : memref<10000x128xf32, #tpu.memory_space<hbm>> -> memref<10000x128xf32, #tpu.memory_space<hbm>>
    tpu.wait_indirect_dma semaphore(%arg17 : memref<!tpu.dma_semaphore, #tpu.memory_space<semaphore_mem>>) src(%dma_wait3A_132 : memref<10000x128xf32, #tpu.memory_space<hbm>>) dst(%arg11 : memref<40x128xf32, #tpu.memory_space<vmem>>)
    %multiple_of3A_133 = arith.constant 9960 : i32
    %multiple_of3A_134 = tpu.assume_multiple %multiple_of3A_133, 8 : i32
    %dma_start3A_135 = tpu.memref_slice %arg6[%multiple_of3A_134] : memref<10000xi32, #tpu.memory_space<vmem>> -> memref<40xi32, #tpu.memory_space<vmem>>
    %dma_start3A_136 = arith.constant 0 : i32
    %dma_start3A_137 = arith.constant 0 : i32
    %dma_start3A_138 = tpu.memref_slice %arg12[%dma_start3A_136, %dma_start3A_137] : memref<10240x128xf32, #tpu.memory_space<vmem_shared>> -> memref<10240x128xf32, #tpu.memory_space<vmem_shared>>
    tpu.enqueue_indirect_dma source(%arg11 : memref<40x128xf32, #tpu.memory_space<vmem>>) target(%dma_start3A_138 : memref<10240x128xf32, #tpu.memory_space<vmem_shared>>) offsets(%dma_start3A_135 : memref<40xi32, #tpu.memory_space<vmem>>) semaphore(%arg22 : memref<!tpu.dma_semaphore, #tpu.memory_space<semaphore_mem>>) {add = true}
    %dma_wait3A_139 = arith.constant 0 : i32
    %dma_wait3A_140 = tpu.memref_slice %arg6[%dma_wait3A_139] : memref<10000xi32, #tpu.memory_space<vmem>> -> memref<40xi32, #tpu.memory_space<vmem>>
    %dma_wait3A_141 = arith.constant 0 : i32
    %dma_wait3A_142 = arith.constant 0 : i32
    %dma_wait3A_143 = tpu.memref_slice %arg12[%dma_wait3A_141, %dma_wait3A_142] : memref<10240x128xf32, #tpu.memory_space<vmem_shared>> -> memref<10240x128xf32, #tpu.memory_space<vmem_shared>>
    tpu.wait_indirect_dma semaphore(%arg18 : memref<!tpu.dma_semaphore, #tpu.memory_space<semaphore_mem>>) src(%arg7 : memref<40x128xf32, #tpu.memory_space<vmem>>) dst(%dma_wait3A_143 : memref<10240x128xf32, #tpu.memory_space<vmem_shared>>)
    %dma_wait3A_144 = arith.constant 0 : i32
    %dma_wait3A_145 = tpu.memref_slice %arg6[%dma_wait3A_144] : memref<10000xi32, #tpu.memory_space<vmem>> -> memref<40xi32, #tpu.memory_space<vmem>>
    %dma_wait3A_146 = arith.constant 0 : i32
    %dma_wait3A_147 = arith.constant 0 : i32
    %dma_wait3A_148 = tpu.memref_slice %arg12[%dma_wait3A_146, %dma_wait3A_147] : memref<10240x128xf32, #tpu.memory_space<vmem_shared>> -> memref<10240x128xf32, #tpu.memory_space<vmem_shared>>
    tpu.wait_indirect_dma semaphore(%arg19 : memref<!tpu.dma_semaphore, #tpu.memory_space<semaphore_mem>>) src(%arg8 : memref<40x128xf32, #tpu.memory_space<vmem>>) dst(%dma_wait3A_148 : memref<10240x128xf32, #tpu.memory_space<vmem_shared>>)
    %dma_wait3A_149 = arith.constant 0 : i32
    %dma_wait3A_150 = tpu.memref_slice %arg6[%dma_wait3A_149] : memref<10000xi32, #tpu.memory_space<vmem>> -> memref<40xi32, #tpu.memory_space<vmem>>
    %dma_wait3A_151 = arith.constant 0 : i32
    %dma_wait3A_152 = arith.constant 0 : i32
    %dma_wait3A_153 = tpu.memref_slice %arg12[%dma_wait3A_151, %dma_wait3A_152] : memref<10240x128xf32, #tpu.memory_space<vmem_shared>> -> memref<10240x128xf32, #tpu.memory_space<vmem_shared>>
    tpu.wait_indirect_dma semaphore(%arg20 : memref<!tpu.dma_semaphore, #tpu.memory_space<semaphore_mem>>) src(%arg9 : memref<40x128xf32, #tpu.memory_space<vmem>>) dst(%dma_wait3A_153 : memref<10240x128xf32, #tpu.memory_space<vmem_shared>>)
    %dma_wait3A_154 = arith.constant 0 : i32
    %dma_wait3A_155 = tpu.memref_slice %arg6[%dma_wait3A_154] : memref<10000xi32, #tpu.memory_space<vmem>> -> memref<40xi32, #tpu.memory_space<vmem>>
    %dma_wait3A_156 = arith.constant 0 : i32
    %dma_wait3A_157 = arith.constant 0 : i32
    %dma_wait3A_158 = tpu.memref_slice %arg12[%dma_wait3A_156, %dma_wait3A_157] : memref<10240x128xf32, #tpu.memory_space<vmem_shared>> -> memref<10240x128xf32, #tpu.memory_space<vmem_shared>>
    tpu.wait_indirect_dma semaphore(%arg21 : memref<!tpu.dma_semaphore, #tpu.memory_space<semaphore_mem>>) src(%arg10 : memref<40x128xf32, #tpu.memory_space<vmem>>) dst(%dma_wait3A_158 : memref<10240x128xf32, #tpu.memory_space<vmem_shared>>)
    %dma_wait3A_159 = arith.constant 0 : i32
    %dma_wait3A_160 = tpu.memref_slice %arg6[%dma_wait3A_159] : memref<10000xi32, #tpu.memory_space<vmem>> -> memref<40xi32, #tpu.memory_space<vmem>>
    %dma_wait3A_161 = arith.constant 0 : i32
    %dma_wait3A_162 = arith.constant 0 : i32
    %dma_wait3A_163 = tpu.memref_slice %arg12[%dma_wait3A_161, %dma_wait3A_162] : memref<10240x128xf32, #tpu.memory_space<vmem_shared>> -> memref<10240x128xf32, #tpu.memory_space<vmem_shared>>
    tpu.wait_indirect_dma semaphore(%arg22 : memref<!tpu.dma_semaphore, #tpu.memory_space<semaphore_mem>>) src(%arg11 : memref<40x128xf32, #tpu.memory_space<vmem>>) dst(%dma_wait3A_163 : memref<10240x128xf32, #tpu.memory_space<vmem_shared>>)
    %barrier3A_164 = arith.constant 0 : index
    tpu.barrier barrier_id(%barrier3A_164)
    "tpu.region"() ({
      %run_scoped3A = tpu.sem_alloc : memref<!tpu.dma_semaphore, #tpu.memory_space<semaphore_mem>>
      %dma_start3A_165 = arith.constant 0 : i32
      %dma_start3A_166 = tpu.memref_slice %arg4[%arg0, %multiple_of3A, %dma_start3A_165] : memref<2x10240x128xf32, #tpu.memory_space<hbm>> -> memref<1x640x128xf32, #tpu.memory_space<hbm>>
      %dma_start3A_167 = tpu.memref_squeeze %dma_start3A_166 : memref<1x640x128xf32, #tpu.memory_space<hbm>> -> memref<640x128xf32, #tpu.memory_space<hbm>>
      %dma_start3A_168 = arith.constant 0 : i32
      %dma_start3A_169 = tpu.memref_slice %arg12[%multiple_of3A, %dma_start3A_168] : memref<10240x128xf32, #tpu.memory_space<vmem_shared>> -> memref<640x128xf32, #tpu.memory_space<vmem_shared>>
      tpu.enqueue_dma source(%dma_start3A_169 : memref<640x128xf32, #tpu.memory_space<vmem_shared>>) target(%dma_start3A_167 : memref<640x128xf32, #tpu.memory_space<hbm>>) target_semaphore(%run_scoped3A : memref<!tpu.dma_semaphore, #tpu.memory_space<semaphore_mem>>)
      %dma_wait3A_170 = arith.constant 0 : i32
      %dma_wait3A_171 = tpu.memref_slice %arg4[%arg0, %multiple_of3A, %dma_wait3A_170] : memref<2x10240x128xf32, #tpu.memory_space<hbm>> -> memref<1x640x128xf32, #tpu.memory_space<hbm>>
      %dma_wait3A_172 = tpu.memref_squeeze %dma_wait3A_171 : memref<1x640x128xf32, #tpu.memory_space<hbm>> -> memref<640x128xf32, #tpu.memory_space<hbm>>
      %dma_wait3A_173 = arith.constant 0 : i32
      %dma_wait3A_174 = tpu.memref_slice %arg12[%multiple_of3A, %dma_wait3A_173] : memref<10240x128xf32, #tpu.memory_space<vmem_shared>> -> memref<640x128xf32, #tpu.memory_space<vmem_shared>>
      tpu.wait_dma2 semaphore(%run_scoped3A : memref<!tpu.dma_semaphore, #tpu.memory_space<semaphore_mem>>) src(%dma_wait3A_174 : memref<640x128xf32, #tpu.memory_space<vmem_shared>>) dst(%dma_wait3A_172 : memref<640x128xf32, #tpu.memory_space<hbm>>)
      tpu.yield
    }) : () -> ()
    return
  }
}

module attributes {stable_mosaic.version = 14 : i64} {
  func.func @_final_body(%arg0: i32, %arg1: memref<2x1024x128xf32, #tpu.memory_space<vmem>>, %arg2: memref<1024x128xf32, #tpu.memory_space<vmem>>, %arg3: memref<2x1024xf32, #tpu.memory_space<vmem>>, %arg4: memref<128xf32, #tpu.memory_space<vmem>>, %arg5: memref<1024x128xf32, #tpu.memory_space<vmem>>) attributes {dimension_semantics = [#tpu.dimension_semantics<arbitrary>], iteration_bounds = array<i64: 10>, scalar_prefetch = 0 : i64, scratch_operands = 0 : i64, tpu.core_type = #tpu.core_type<tc>, window_params = [{transform_indices = @transform_0, window_bounds = array<i64: 2, 1024, 128>}, {transform_indices = @transform_1, window_bounds = array<i64: 1024, 128>}, {transform_indices = @transform_2, window_bounds = array<i64: 2, 1024>}, {pipeline_mode = #tpu.pipeline_mode<synchronous>, transform_indices = @transform_3, window_bounds = array<i64: 128>}, {transform_indices = @transform_4, window_bounds = array<i64: 1024, 128>}]} {
    %get3A = arith.constant 0 : index
    %get3A_0 = arith.constant 0 : index
    %get3A_1 = vector.load %arg3[%get3A, %get3A_0] : memref<2x1024xf32, #tpu.memory_space<vmem>>, vector<1x1024xf32>
    %get3A_2 = vector.shape_cast %get3A_1 : vector<1x1024xf32> to vector<1024xf32>
    %get3A_3 = arith.constant 1 : index
    %get3A_4 = arith.constant 0 : index
    %get3A_5 = vector.load %arg3[%get3A_3, %get3A_4] : memref<2x1024xf32, #tpu.memory_space<vmem>>, vector<1x1024xf32>
    %get3A_6 = vector.shape_cast %get3A_5 : vector<1x1024xf32> to vector<1024xf32>
    %add3A = arith.addf %get3A_2, %get3A_6 : vector<1024xf32>
    %add3A_7 = arith.constant 1.000000e+00 : f32
    %add3A_8 = vector.broadcast %add3A_7 : f32 to vector<1024xf32>
    %add3A_9 = arith.addf %add3A, %add3A_8 : vector<1024xf32>
    %rsqrt3A = math.rsqrt %add3A_9 : vector<1024xf32>
    %get3A_10 = arith.constant 0 : index
    %get3A_11 = arith.constant 0 : index
    %get3A_12 = arith.constant 0 : index
    %get3A_13 = vector.load %arg1[%get3A_10, %get3A_11, %get3A_12] : memref<2x1024x128xf32, #tpu.memory_space<vmem>>, vector<1x1024x128xf32>
    %get3A_14 = vector.shape_cast %get3A_13 : vector<1x1024x128xf32> to vector<1024x128xf32>
    %get3A_15 = arith.constant 1 : index
    %get3A_16 = arith.constant 0 : index
    %get3A_17 = arith.constant 0 : index
    %get3A_18 = vector.load %arg1[%get3A_15, %get3A_16, %get3A_17] : memref<2x1024x128xf32, #tpu.memory_space<vmem>>, vector<1x1024x128xf32>
    %get3A_19 = vector.shape_cast %get3A_18 : vector<1x1024x128xf32> to vector<1024x128xf32>
    %add3A_20 = arith.addf %get3A_14, %get3A_19 : vector<1024x128xf32>
    %get3A_21 = arith.constant 0 : index
    %get3A_22 = arith.constant 0 : index
    %get3A_23 = vector.load %arg2[%get3A_21, %get3A_22] : memref<1024x128xf32, #tpu.memory_space<vmem>>, vector<1024x128xf32>
    %add3A_24 = arith.addf %add3A_20, %get3A_23 : vector<1024x128xf32>
    %broadcast_in_dim3A = vector.shape_cast %rsqrt3A : vector<1024xf32> to vector<1024x1xf32>
    %mul3A = vector.broadcast %broadcast_in_dim3A : vector<1024x1xf32> to vector<1024x128xf32>
    %mul3A_25 = arith.mulf %add3A_24, %mul3A : vector<1024x128xf32>
    %get3A_26 = arith.constant 0 : index
    %get3A_27 = vector.load %arg4[%get3A_26] : memref<128xf32, #tpu.memory_space<vmem>>, vector<128xf32>
    %broadcast_in_dim3A_28 = vector.shape_cast %get3A_27 : vector<128xf32> to vector<1x128xf32>
    %add3A_29 = vector.broadcast %broadcast_in_dim3A_28 : vector<1x128xf32> to vector<1024x128xf32>
    %add3A_30 = arith.addf %mul3A_25, %add3A_29 : vector<1024x128xf32>
    %swap3A = arith.constant 0 : index
    %swap3A_31 = arith.constant 0 : index
    %swap3A_32 = vector.load %arg5[%swap3A, %swap3A_31] : memref<1024x128xf32, #tpu.memory_space<vmem>>, vector<1024x128xf32>
    tpu.vector_store %arg5[%swap3A, %swap3A_31], %add3A_30 {strides = array<i32>} : memref<1024x128xf32, #tpu.memory_space<vmem>>, vector<1024x128xf32>,
    return
  }
  func.func @transform_0(%arg0: i32) -> (i32, i32, i32) {
    %c0_i32 = arith.constant 0 : i32
    %c0_i32_0 = arith.constant 0 : i32
    %c0_i32_1 = arith.constant 0 : i32
    return %c0_i32, %arg0, %c0_i32_0 : i32, i32, i32
  }
  func.func @transform_1(%arg0: i32) -> (i32, i32) {
    %c0_i32 = arith.constant 0 : i32
    %c0_i32_0 = arith.constant 0 : i32
    return %arg0, %c0_i32 : i32, i32
  }
  func.func @transform_2(%arg0: i32) -> (i32, i32) {
    %c0_i32 = arith.constant 0 : i32
    %c0_i32_0 = arith.constant 0 : i32
    return %c0_i32, %arg0 : i32, i32
  }
  func.func @transform_3(%arg0: i32) -> i32 {
    %c0_i32 = arith.constant 0 : i32
    %c0_i32_0 = arith.constant 0 : i32
    return %c0_i32 : i32
  }
  func.func @transform_4(%arg0: i32) -> (i32, i32) {
    %c0_i32 = arith.constant 0 : i32
    %c0_i32_0 = arith.constant 0 : i32
    return %arg0, %c0_i32 : i32, i32
  }
}

module attributes {stable_mosaic.version = 14 : i64} {
  func.func @_prep_body(%arg0: i32, %arg1: memref<1024x128xf32, #tpu.memory_space<vmem>>, %arg2: memref<128x128xf32, #tpu.memory_space<vmem>>, %arg3: memref<2x1024xf32, #tpu.memory_space<vmem>>, %arg4: memref<1024x128xf32, #tpu.memory_space<vmem>>) attributes {dimension_semantics = [#tpu.dimension_semantics<arbitrary>], iteration_bounds = array<i64: 10>, scalar_prefetch = 0 : i64, scratch_operands = 0 : i64, tpu.core_type = #tpu.core_type<tc>, window_params = [{transform_indices = @transform_0, window_bounds = array<i64: 1024, 128>}, {pipeline_mode = #tpu.pipeline_mode<synchronous>, transform_indices = @transform_1, window_bounds = array<i64: 128, 128>}, {transform_indices = @transform_2, window_bounds = array<i64: 2, 1024>}, {transform_indices = @transform_3, window_bounds = array<i64: 1024, 128>}]} {
    %get3A = arith.constant 0 : index
    %get3A_0 = arith.constant 0 : index
    %get3A_1 = vector.load %arg1[%get3A, %get3A_0] : memref<1024x128xf32, #tpu.memory_space<vmem>>, vector<1024x128xf32>
    %get3A_2 = arith.constant 0 : index
    %get3A_3 = arith.constant 0 : index
    %get3A_4 = vector.load %arg2[%get3A_2, %get3A_3] : memref<128x128xf32, #tpu.memory_space<vmem>>, vector<128x128xf32>
    %dot_general3A = arith.constant dense<0.000000e+00> : vector<1024x128xf32>
    %dot_general3A_5 = tpu.matmul %get3A_1, %get3A_4, %dot_general3A {dimension_numbers = #tpu.dot_dimension_numbers<[1], [1], [0], [0], [0, 0, 1, 0], [], []>, transpose_lhs_hint = false} : vector<1024x128xf32>, vector<128x128xf32>, vector<1024x128xf32> -> vector<1024x128xf32>
    %get3A_6 = arith.constant 0 : index
    %get3A_7 = arith.constant 0 : index
    %get3A_8 = vector.load %arg3[%get3A_6, %get3A_7] : memref<2x1024xf32, #tpu.memory_space<vmem>>, vector<1x1024xf32>
    %get3A_9 = vector.shape_cast %get3A_8 : vector<1x1024xf32> to vector<1024xf32>
    %get3A_10 = arith.constant 1 : index
    %get3A_11 = arith.constant 0 : index
    %get3A_12 = vector.load %arg3[%get3A_10, %get3A_11] : memref<2x1024xf32, #tpu.memory_space<vmem>>, vector<1x1024xf32>
    %get3A_13 = vector.shape_cast %get3A_12 : vector<1x1024xf32> to vector<1024xf32>
    %add3A = arith.addf %get3A_9, %get3A_13 : vector<1024xf32>
    %add3A_14 = arith.constant 1.000000e+00 : f32
    %add3A_15 = vector.broadcast %add3A_14 : f32 to vector<1024xf32>
    %add3A_16 = arith.addf %add3A, %add3A_15 : vector<1024xf32>
    %rsqrt3A = math.rsqrt %add3A_16 : vector<1024xf32>
    %broadcast_in_dim3A = vector.shape_cast %rsqrt3A : vector<1024xf32> to vector<1024x1xf32>
    %mul3A = vector.broadcast %broadcast_in_dim3A : vector<1024x1xf32> to vector<1024x128xf32>
    %mul3A_17 = arith.mulf %dot_general3A_5, %mul3A : vector<1024x128xf32>
    %swap3A = arith.constant 0 : index
    %swap3A_18 = arith.constant 0 : index
    %swap3A_19 = vector.load %arg4[%swap3A, %swap3A_18] : memref<1024x128xf32, #tpu.memory_space<vmem>>, vector<1024x128xf32>
    tpu.vector_store %arg4[%swap3A, %swap3A_18], %mul3A_17 {strides = array<i32>} : memref<1024x128xf32, #tpu.memory_space<vmem>>, vector<1024x128xf32>,
    return
  }
  func.func @transform_0(%arg0: i32) -> (i32, i32) {
    %c0_i32 = arith.constant 0 : i32
    %c0_i32_0 = arith.constant 0 : i32
    return %arg0, %c0_i32 : i32, i32
  }
  func.func @transform_1(%arg0: i32) -> (i32, i32) {
    %c0_i32 = arith.constant 0 : i32
    %c0_i32_0 = arith.constant 0 : i32
    %c0_i32_1 = arith.constant 0 : i32
    return %c0_i32, %c0_i32_0 : i32, i32
  }
  func.func @transform_2(%arg0: i32) -> (i32, i32) {
    %c0_i32 = arith.constant 0 : i32
    %c0_i32_0 = arith.constant 0 : i32
    return %c0_i32, %arg0 : i32, i32
  }
  func.func @transform_3(%arg0: i32) -> (i32, i32) {
    %c0_i32 = arith.constant 0 : i32
    %c0_i32_0 = arith.constant 0 : i32
    return %arg0, %c0_i32 : i32, i32
  }
}

</mosaic_0001>

<sc_bundles>
// kernel: kernel.6.cloned.1.call-start
scs
__scs_entry_jumppad:
0x0: {  	(pc) =	sbr.rel $0x88, $3  }
0x1: {  	(tag) =	ssettag $0x0;
	lr =	simm.s32 $0x1  }
0x2: {  	[smem:$0x3F9D] =	sst lr;
	_ =	strace $0xD0000000  }
0x3: {  	_ = 	snop  }
0x4: {  	_ = 	snop  }
0x5: {  	_ = 	snop  }
0x6: {  	_ = 	snop  }
0x7: {  	_ = 	snop  }
__scs_overlays_trampoline_lowered:
0x8: {  	[smem:$0x3FAC] =	sst s0  }
0x9: {  	[smem:$0x3FAD] =	sst s1  }
0xa: {  	[smem:$0x3FAE] =	sst s2  }
0xb: {  	[smem:$0x3FAF] =	sst s3  }
0xc: {  	[smem:$0x3FB0] =	sst s4  }
0xd: {  	[smem:$0x3FB1] =	sst s5  }
0xe: {  	[smem:$0x3FB2] =	sst s6  }
0xf: {  	[smem:$0x3FB3] =	sst s7  }
0x10: {  	[smem:$0x3FB4] =	sst s8  }
0x11: {  	[smem:$0x3FB5] =	sst s9;
	s0 =	simm.s32 @!p0 $0x0  }
0x12: {  	s1 =	sld [smem:$0x3F9B];
	s0 =	simm.s32 @p0 $0x1  }
0x13: {  	[smem:$0x3FB6] =	sst s0;
	s0 =	simm.s32 @!p1 $0x0  }
0x14: {  	s2 =	sld [smem:$0x3F9A];
	s0 =	simm.s32 @p1 $0x1  }
0x15: {  	[smem:$0x3FB7] =	sst s0;
	s0 =	simm.s32 @!p2 $0x0  }
0x16: {  	s3 =	sld [smem:$0x3FDB];
	s0 =	simm.s32 @p2 $0x1  }
0x17: {  	s4 =	simm.s32 $0x1BF5;
	[smem:$0x3FB9] =	sst s0  }
0x18: {  	s0 =	sld [smem:$0x3F9C];
	_ =	swait.ge [sflag:s4], $0x0  }
0x19: {  	s7 =	sld [smem:$0x3F9D]  }
0x1a: {  	s8 =	sadd.s32 $0xFFFFE003, lr  }
0x1b: {  	s9 =	sadd.s32 $0xFFFFFEF7, lr;
	s5 =	simm.s32 $0xFFFFFFFF;
	p2 =	slt.u32 s8, $0xFFFFF086  }
0x1c: {  	p1 =	slt.u32 s9, $0xF7A;
	s5 =	simm.s32 @!p2 $0x0  }
0x1d: {  	s5 =	simm.s32 @p1 $0x1;
	p0 =	seq.s32 s7, s2  }
0x1e: {  	s7 =	smul.u32 @!p0 $0xF7A, s2;
	p2 =	seq.s32 @!p0 s5, $0x0  }
0x1f: {  	s9 =	smul.u32 $0xF7A, s1;
	s8 =	simm.s32 @!p0 $0x1BF5;
	p2 =	por !p2, p0  }
0x20: {  	[sflag:s8] =	ssyncset.s32 @!p0 $0xFFFFF086;
	s6 =	sadd.s32 @!p0 s3, s7;
	s7 =	simm.s32 @!p0 $0x108  }
0x21: {  	s3 =	sadd.s32 s3, s9;
	s6 =	sadd.s32 @!p0 $0x88, s6;
	s7 =	simm.s32 @p2 $0x1082  }
0x22: {  	[simem:s7], [sflag:s8] =	dma.local @!p0 [hbm:s6], $0xF7A  }
0x23: {  	s9 =	sor.u32 $0xD0000000, s2;
	s6 =	simm.s32 $0x108;
	_ =	swait.ge @!p0 [sflag:s8], $0x0  }
0x24: {  	s3 =	sadd.s32 $0x88, s3;
	s6 =	simm.s32 @!p1 $0x1082;
	[sflag:s4] =	ssyncset.s32 $0xFFFFF086  }
0x25: {  	[simem:s6], [sflag:s4] =	dma.local [hbm:s3], $0xF7A  }
0x26: {  	[smem:$0x3F9D] =	sst s1;
	(tag) =	ssettag s2;
	_ =	strace s9  }
0x27: {  	s1 =	sld [smem:$0x3FAD]  }
0x28: {  	s2 =	sld [smem:$0x3FAE]  }
0x29: {  	s4 =	sld [smem:$0x3FB0]  }
0x2a: {  	p0 =	seq.s32 s5, $0x0;
	s5 =	sld [smem:$0x3FB1]  }
0x2b: {  	s6 =	sld [smem:$0x3FB2]  }
0x2c: {  	s7 =	sld [smem:$0x3FB3]  }
0x2d: {  	s3 =	simm.s32 $0x108;
	s8 =	sld [smem:$0x3FB4]  }
0x2e: {  	s3 =	simm.s32 @!p0 $0x1082;
	s9 =	sld [smem:$0x3FB5]  }
0x2f: {  	lr =	sadd.s32 s0, s3;
	s0 =	sld [smem:$0x3FAC]  }
0x30: {  	s3 =	sld [smem:$0x3FAF]  }
0x31: {  	[smem:$0x3FB8] =	sst s10  }
0x32: {  	s10 =	sld [smem:$0x3FB6];
	_ =	sdelay $0x3  }
0x33: {  	p0 =	seq.s32 s10, $0x1;
	s10 =	sld [smem:$0x3FB8];
	_ =	sdelay $0x3  }
0x34: {  	[smem:$0x3FB8] =	sst s10  }
0x35: {  	s10 =	sld [smem:$0x3FB7];
	_ =	sdelay $0x3  }
0x36: {  	p1 =	seq.s32 s10, $0x1;
	s10 =	sld [smem:$0x3FB8];
	_ =	sdelay $0x3  }
0x37: {  	[smem:$0x3FB8] =	sst s10  }
0x38: {  	s10 =	sld [smem:$0x3FB9]  }
0x39: {  	_ = 	snop;
	(pc) =	sbr.ind lr, $3  }
0x3a: {  	_ = 	snop  }
0x3b: {  	_ = 	snop  }
0x3c: {  	p2 =	seq.s32 s10, $0x1;
	s10 =	sld [smem:$0x3FB8]  }
0x3d: {  	_ =	shalt  }
0x3e: {  	_ =	shalt  }
0x3f: {  	_ =	shalt  }
0x40: {  	_ =	shalt  }
0x41: {  	_ =	shalt  }
0x42: {  	_ =	shalt  }
0x43: {  	_ =	shalt  }
0x44: {  	_ =	shalt  }
0x45: {  	_ =	shalt  }
0x46: {  	_ =	shalt  }
0x47: {  	_ =	shalt  }
0x48: {  	_ =	shalt  }
0x49: {  	_ =	shalt  }
0x4a: {  	_ =	shalt  }
0x4b: {  	_ =	shalt  }
0x4c: {  	_ =	shalt  }
0x4d: {  	_ =	shalt  }
0x4e: {  	_ =	shalt  }
0x4f: {  	_ =	shalt  }
0x50: {  	_ =	shalt  }
0x51: {  	_ =	shalt  }
0x52: {  	_ =	shalt  }
0x53: {  	_ =	shalt  }
0x54: {  	_ =	shalt  }
0x55: {  	_ =	shalt  }
0x56: {  	_ =	shalt  }
0x57: {  	_ =	shalt  }
0x58: {  	_ =	shalt  }
0x59: {  	_ =	shalt  }
0x5a: {  	_ =	shalt  }
0x5b: {  	_ =	shalt  }
0x5c: {  	_ =	shalt  }
0x5d: {  	_ =	shalt  }
0x5e: {  	_ =	shalt  }
0x5f: {  	_ =	shalt  }
0x60: {  	_ =	shalt  }
0x61: {  	_ =	shalt  }
0x62: {  	_ =	shalt  }
0x63: {  	_ =	shalt  }
0x64: {  	_ =	shalt  }
0x65: {  	_ =	shalt  }
0x66: {  	_ =	shalt  }
0x67: {  	_ =	shalt  }
0x68: {  	_ =	shalt  }
0x69: {  	_ =	shalt  }
0x6a: {  	_ =	shalt  }
0x6b: {  	_ =	shalt  }
0x6c: {  	_ =	shalt  }
0x6d: {  	_ =	shalt  }
0x6e: {  	_ =	shalt  }
0x6f: {  	_ =	shalt  }
0x70: {  	_ =	shalt  }
0x71: {  	_ =	shalt  }
0x72: {  	_ =	shalt  }
0x73: {  	_ =	shalt  }
0x74: {  	_ =	shalt  }
0x75: {  	_ =	shalt  }
0x76: {  	_ =	shalt  }
0x77: {  	_ =	shalt  }
0x78: {  	_ =	shalt  }
0x79: {  	_ =	shalt  }
0x7a: {  	_ =	shalt  }
0x7b: {  	_ =	shalt  }
0x7c: {  	_ =	shalt  }
0x7d: {  	_ =	shalt  }
0x7e: {  	_ =	shalt  }
0x7f: {  	_ =	shalt  }
0x80: {  	_ =	shalt  }
0x81: {  	_ =	shalt  }
0x82: {  	_ =	shalt  }
0x83: {  	_ =	shalt  }
0x84: {  	_ =	shalt  }
0x85: {  	_ =	shalt  }
0x86: {  	_ =	shalt  }
0x87: {  	_ =	shalt  }
.Lfunc_end0:
.L_simem_size_0:
called_computation_lowered:
.L_overlay_start_0:
0x88: {  	s2 =	sld [smem:$0x3FD9]  }
0x89: {  	s3 =	sld [smem:$0x3FFE];
	_ =	sdelay $0x1  }
0x8a: {  	s1 =	srdreg.scid  }
0x8b: {  	s0 =	sand.u32 $0x1, s1  }
0x8c: {  	s17 =	sshll.u32 s0, $0xA;
	s2 =	sadd.s32 s3, s2  }
0x8d: {  	s2 =	sadd.s32 s2, s17  }
0x8e: {  	[smem:$0x3FC4] =	sst s2  }
0x8f: {  	_ = 	snop  }
0x90: {  	s2 =	sld [smem:$0x3FD0];
	(tm) =	ssettm $0x1  }
0x91: {  	s18 =	sld [smem:$0x3FFB];
	_ =	sdelay $0x3  }
0x92: {  	_ =	strace s18  }
0x93: {  	s3 =	sld [smem:$0x3FFC];
	_ =	sdelay $0x3  }
0x94: {  	_ =	strace s3  }
0x95: {  	s3 =	sld [smem:$0x3FFD];
	_ =	sdelay $0x3  }
0x96: {  	_ =	strace s3  }
0x97: {  	_ =	strace $0x8FFFFFFF  }
0x98: {  	s19 =	sld [smem:$0x3FDB];
	_ =	sdelay $0x1  }
0x99: {  	s4 =	simm.s32 $_scs_section_size  }
0x9a: {  	s5 =	simm.s32 $_size__tile_overlayer_lowered;
	s6 =	simm.s32 $_tile_overlayer_lowered  }
0x9b: {  	s22 =	simm.s32 $0x1BFF;
	s21 =	sshll.u32 s6, $0x1;
	s3 =	sadd.s32 s4, s19  }
0x9c: {  	s7 =	simm.s32 $0x0;
	s20 =	sshll.u32 s5, $0x1;
	s5 =	sadd.s32 s21, s3  }
0x9d: {  	[timem:s7], [sflag:s22] =	dma.local [hbm:s5], s20  }
0x9e: {  	_ =	swait.ge [sflag:s22], s20  }
0x9f: {  	s4 =	ssub.s32 $0x0, s20;
	[sflag:s22] =	ssyncset.done $0x0  }
0xa0: {  	[sflag:s22] =	ssyncadd.s32 s4;
	_ =	sdelay $0x1  }
0xa1: {  	s23 =	simm.s32 $0x1B8B  }
0xa2: {  	_ =	swait.ge [sflag:s23], $0x1  }
0xa3: {  	[sflag:s23] =	ssyncset.done $0x0  }
0xa4: {  	s25 =	simm.s32 $0x1B8E;
	s24 =	sld [smem:$0x3FFE];
	[sflag:s23] =	ssyncadd.s32 $0xFFFFFFFF  }
0xa5: {  	s26 =	simm.s32 $execute0_lowered;
	[smem:$0x3FD2] =	sst s25  }
0xa6: {  	s5 =	sshll.u32 s26, $0x1;
	_ =	strace $0x80000046;
	[dreg:$0x1] =	wrdreg $0xFFFFFFFF  }
0xa7: {  	s28 =	simm.s32 $_size_execute0_lowered;
	s3 =	sadd.s32 s3, s5;
	[dreg:$0x0] =	wrdreg $0x0  }
0xa8: {  	s5 =	sshll.u32 s28, $0x1;
	[dreg:$0x2] =	wrdreg s3  }
0xa9: {  	[dreg:$0x3] =	wrdreg s5  }
0xaa: {  	[dreg:$0x4] =	wrdreg $0xC0  }
0xab: {  	_ =	task [dreg:s7], $0x5FFFF  }
0xac: {  	[dreg:$0x1] =	wrdreg $0xFFFFFFFF  }
0xad: {  	[dreg:$0x0] =	wrdreg $0x60  }
0xae: {  	[dreg:$0x2] =	wrdreg s24  }
0xaf: {  	[dreg:$0x3] =	wrdreg s2  }
0xb0: {  	[dreg:$0x4] =	wrdreg $0x12800  }
0xb1: {  	[dreg:$0x5] =	wrdreg $0x9  }
0xb2: {  	_ =	task.clear_ibuf [dreg:s7], $0x6FFFF;
	_ =	strace $0x90000046  }
0xb3: {  	s29 =	simm.s32 $0x9;
	_ =	strace $0x80000048  }
0xb4: {  	_ =	swait.ge [sflag:s29], $0x1  }
0xb5: {  	[sflag:s29] =	ssyncadd.s32 $0xFFFFFFFF  }
0xb6: {  	_ =	strace $0x90000048  }
0xb7: {  	_ =	sfence  }
0xb8: {  	s30 =	sld [smem:$0x0];
	_ =	sdelay $0x2  }
0xb9: {  	s31 =	sshll.u32 s1, $0xD;
	s1 =	sshrl.u32 s1, $0x2  }
0xba: {  	s3 =	sand.u32 $0x4000, s31;
	s1 =	sadd.s32 s1, s30  }
0xbb: {  	s0 =	sor.u32 s3, s0;
	s1 =	sshll.u32 s1, $0x11  }
0xbc: {  	s0 =	sor.u32 s1, s0  }
0xbd: {  	s0 =	sadd.s32 $0x8F2B, s0  }
0xbe: {  	[sflag:s0] =	ssyncadd.remote.s32 $0x1  }
0xbf: {  	_ =	sfence.sel $0xFFFF  }
0xc0: {  	[dreg:$0x0] =	wrdreg $0xFFFFFFFF;
	(pc) =	sbr.abs _section_cstart, $3  }
0xc1: {  	[dreg:$0x1] =	wrdreg $0xFFFFFFFF  }
0xc2: {  	_ =	task.clear_ibuf [dreg:s7], $0x2FFFF;
	_ =	strace $0x9FFFFFFF  }
0xc3: {  	(tm) =	ssettm $0x7FFFFFFF  }
tec
execute0_lowered:
.L_overlay_start_1:
0x0: {  	(tag) =	ssettag $0x1  }
0x1: {  	s4 =	rddreg [dreg:$0x0]  }
0x2: {  	s1 =	srdreg.scid;
	s5 =	rddreg [dreg:$0x1]  }
0x3: {  	s0 =	stileid.u32;
	s2 =	rddreg [dreg:$0x2];
	s3 =	simm.s32 $0x0  }
0x4: {  	s12 =	simm.s32 $0x1000;
	s13 =	simm.s32 $0x1;
	s14 =	simm.s32 $0x7D0  }
0x5: {  	s15 =	simm.s32 $0x800;
	s18 =	simm.s32 $0x20;
	s19 =	simm.s32 $0x10  }
0x6: {  	s20 =	simm.s32 $0x0;
	s6 =	sand.u32 $0x1, s1;
	s1 =	rddreg [dreg:$0x3]  }
0x7: {  	s28 =	sshll.u32 s0, $0x1;
	[smem:$0x7FF] =	sst s3;
	s8 =	smul.u32 $0x500, s0  }
0x8: {  	s10 =	smul.u32 $0xA00, s0;
	s16 =	sshll.u32 s0, $0x6;
	s7 =	sor.u32 s6, s28  }
0x9: {  	_ =	strace $0x80000047;
	s9 =	ssub.s32 $0x2, s6;
	s6 =	sshll.u32 s6, $0x7  }
0xa: {  	s16 =	sor.u32 $0x1C01, s16;
	s7 =	smul.u32 $0x2710, s7;
	s6 =	sor.u32 s6, s8  }
0xb: {  	s29 =	sshrl.u32 s9, $0x1;
	s31 =	sshrl.u32 s10, $0x2;
	s6 =	sshrl.u32 s6, $0x3  }
0xc: {  	s30 =	ssub.s32 s9, s29;
	s7 =	sshrl.u32 s7, $0x3;
	s5 =	sadd.s32 s5, s6  }
0xd: {  	s11 =	sadd.s32 s7, s4;
	s4 =	sadd.s32 s31, s2;
	s7 =	smax.u32 s30, $0x1  }
0xe: {  	s6 =	sadd.s32 $0xB840, s11;
	s8 =	sadd.s32 $0xB93A, s11;
	s9 =	sadd.s32 $0xBA34, s11  }
0xf: {  	v0 =	vimm.f32 $1.000000000e+00;
	v1 =	vimm.f32 $0.0e+00;
	s10 =	sadd.s32 $0xBB2E, s11;
	s11 =	sadd.s32 $0xBC28, s11;
	s17 =	sshrl.u32 s4, $0x3  }
.LBB2_1:
0x10: {  	s21 =	smul.u32 $0xCD, s3;
	_ =	sdelay $0x1  }
0x11: {  	s21 =	sshrl.u32 s21, $0xD  }
0x12: {  	s22 =	sand.u32 $0x7, s21  }
0x13: {  	s21 =	simm.s32 $0x1;
	s22 =	smul.u32 $0x28, s22  }
0x14: {  	s23 =	smul.u32 $0xCD, s21  }
0x15: {  	s22 =	ssub.s32 $0x0, s22  }
0x16: {  	s23 =	sshrl.u32 s23, $0xD;
	s22 =	sand.u32 $0xFF, s22  }
0x17: {  	[tilespmem:s15+$0x0] =	vst v0;
	s24 =	sand.u32 $0x7, s23;
	s22 =	sshll.u32 s22, $0x4  }
0x18: {  	s23 =	simm.s32 $0x2;
	s24 =	smul.u32 $0x28, s24;
	[tilespmem:s22+$0x1000] =	vst v1;
	s22 =	simm.s32 $0x800  }
.LBB2_2:
0x19: {  	s25 =	smul.u32 $0xCD, s23;
	s26 =	smov.u32 s23;
	p0 =	sne.s32 s23, $0x7C  }
.Ltmp0:
0x1a: {  	s23 =	sadd.s32 $0x1, s23;
	s21 =	ssub.s32 s21, s24;
	(pc) =	sbr.rel @p0 .LBB2_2-.Ltmp0, $4  }
0x1b: {  	s22 =	sadd.s32 $0x10, s22;
	s24 =	sand.u32 $0xFF, s21;
	s21 =	smov.u32 s26  }
0x1c: {  	s25 =	sshrl.u32 s25, $0xD;
	[tilespmem:s22+$0x0] =	vst v0;
	s24 =	sshll.u32 s24, $0x4  }
0x1d: {  	s25 =	sand.u32 $0x7, s25;
	[tilespmem:s24+$0x1000] =	vst v1  }
0x1e: {  	s24 =	smul.u32 $0x28, s25  }
0x1f: {  	_ = 	snop  }
0x20: {  	s21 =	ssub.s32 s21, s24  }
0x21: {  	s22 =	sadd.s32 $0x10, s22;
	s21 =	sand.u32 $0xFF, s21  }
0x22: {  	[tilespmem:s22+$0x0] =	vst v0;
	s21 =	sshll.u32 s21, $0x4  }
0x23: {  	[tilespmem:s21+$0x1000] =	vst v1  }
0x24: {  	[spmem:s4] =	stream.linear.scatter [tilespmem:s12], [sflag:$0x1], $0x280, $0x38;
	[tilespmem:$0x1500] =	vst v63  }
0x25: {  	_ =	swait.ge [sflag:s13], $0x280  }
0x26: {  	[sflag:s13] =	ssyncset.done $0x0  }
0x27: {  	[sflag:s13] =	ssyncadd.s32 $0xFFFFFD80  }
0x28: {  	[bflag:$0x0] =	sbarrier.arrive $0xFFFF  }
0x29: {  	[tilespmem:s3], [sflag:$0x1] =	stream.linear.gather [hbm4b:s6+s3], $0x7D0, $0x38;
	[tilespmem:$0x1500] =	vst v63  }
0x2a: {  	_ =	swait.ge [sflag:s13], $0x7D0  }
0x2b: {  	[sflag:s13] =	ssyncset.done $0x0  }
0x2c: {  	[sflag:s13] =	ssyncadd.s32 $0xFFFFF830  }
0x2d: {  	[spmem:s2] =	stream.indirect.scatter.add.f32 [tilespmem:s15], [sflag:$0x1], $0x1, s3, s14, $0xb8;
	[tilespmem:$0x1500] =	vst v63  }
0x2e: {  	_ =	swait.ge [sflag:s13], $0x7D0  }
0x2f: {  	[sflag:s13] =	ssyncset.done $0x0  }
0x30: {  	[sflag:s13] =	ssyncadd.s32 $0xFFFFF830  }
0x31: {  	[tilespmem:s3], [sflag:$0x1] =	stream.linear.gather [hbm4b:s8+s3], $0x7D0, $0x38;
	[tilespmem:$0x1500] =	vst v63  }
0x32: {  	_ =	swait.ge [sflag:s13], $0x7D0  }
0x33: {  	[sflag:s13] =	ssyncset.done $0x0  }
0x34: {  	[sflag:s13] =	ssyncadd.s32 $0xFFFFF830  }
0x35: {  	[spmem:s2] =	stream.indirect.scatter.add.f32 [tilespmem:s15], [sflag:$0x1], $0x1, s3, s14, $0xb8;
	[tilespmem:$0x1500] =	vst v63  }
0x36: {  	_ =	swait.ge [sflag:s13], $0x7D0  }
0x37: {  	[sflag:s13] =	ssyncset.done $0x0  }
0x38: {  	[sflag:s13] =	ssyncadd.s32 $0xFFFFF830  }
0x39: {  	[tilespmem:s3], [sflag:$0x1] =	stream.linear.gather [hbm4b:s9+s3], $0x7D0, $0x38;
	[tilespmem:$0x1500] =	vst v63  }
0x3a: {  	_ =	swait.ge [sflag:s13], $0x7D0  }
0x3b: {  	[sflag:s13] =	ssyncset.done $0x0  }
0x3c: {  	[sflag:s13] =	ssyncadd.s32 $0xFFFFF830  }
0x3d: {  	[spmem:s2] =	stream.indirect.scatter.add.f32 [tilespmem:s15], [sflag:$0x1], $0x1, s3, s14, $0xb8;
	[tilespmem:$0x1500] =	vst v63  }
0x3e: {  	_ =	swait.ge [sflag:s13], $0x7D0  }
0x3f: {  	[sflag:s13] =	ssyncset.done $0x0  }
0x40: {  	[sflag:s13] =	ssyncadd.s32 $0xFFFFF830  }
0x41: {  	[tilespmem:s3], [sflag:$0x1] =	stream.linear.gather [hbm4b:s10+s3], $0x7D0, $0x38;
	[tilespmem:$0x1500] =	vst v63  }
0x42: {  	_ =	swait.ge [sflag:s13], $0x7D0  }
0x43: {  	[sflag:s13] =	ssyncset.done $0x0  }
0x44: {  	[sflag:s13] =	ssyncadd.s32 $0xFFFFF830  }
0x45: {  	[spmem:s2] =	stream.indirect.scatter.add.f32 [tilespmem:s15], [sflag:$0x1], $0x1, s3, s14, $0xb8;
	[tilespmem:$0x1500] =	vst v63  }
0x46: {  	_ =	swait.ge [sflag:s13], $0x7D0  }
0x47: {  	[sflag:s13] =	ssyncset.done $0x0  }
0x48: {  	[sflag:s13] =	ssyncadd.s32 $0xFFFFF830  }
0x49: {  	[tilespmem:s3], [sflag:$0x1] =	stream.linear.gather [hbm4b:s11+s3], $0x7D0, $0x38;
	[tilespmem:$0x1500] =	vst v63  }
0x4a: {  	_ =	swait.ge [sflag:s13], $0x7D0  }
0x4b: {  	[sflag:s13] =	ssyncset.done $0x0  }
0x4c: {  	[sflag:s13] =	ssyncadd.s32 $0xFFFFF830  }
0x4d: {  	[spmem:s2] =	stream.indirect.scatter.add.f32 [tilespmem:s15], [sflag:$0x1], $0x1, s3, s14, $0xb8;
	[tilespmem:$0x1500] =	vst v63  }
0x4e: {  	_ =	swait.ge [sflag:s13], $0x7D0  }
0x4f: {  	s20 =	sadd.s32 $0x1, s20;
	[sflag:s13] =	ssyncset.done $0x0  }
0x50: {  	p0 =	sne.s32 s20, s7;
	[sflag:s13] =	ssyncadd.s32 $0xFFFFF830  }
.Ltmp1:
0x51: {  	[bflag:$0x0] =	sbarrier.arrive $0xFFFF;
	(pc) =	sbr.rel @p0 .LBB2_1-.Ltmp1, $4  }
0x52: {  	[hbm:s5@s18], [sflag:s16] =	dma.strided [spmem:s17@s19], $0x50, s13, $0x10   }
0x53: {  	_ =	swait.ge [sflag:s13], $0x50  }
0x54: {  	[sflag:s13] =	ssyncset.done $0x0  }
0x55: {  	[sflag:s13] =	ssyncadd.s32 $0xFFFFFFB0  }
0x56: {  	_ =	sfence.sel $0x180000  }
0x57: {  	[bflag:$0x0] =	sbarrier.arrive $0xFFFF  }
0x58: {  	p0 =	sne.s32 s0, $0x0;
	_ =	strace $0x90000047  }
0x59: {  	s0 =	sadd.s32 @!p0 $0x100000, s1;
	[bflag:$0x2] =	sbarrier.arrive $0xFFFF  }
0x5a: {  	[sflag:s0] =	ssyncadd.tile.s32 @!p0 $0x1;
	_ =	shalt  }
.Lfunc_end2:
_tile_overlayer_lowered:
.L_overlay_start_2:
0x5b: {  	(tag) =	ssettag $0x2  }
0x5c: {  	s0 =	rddreg [dreg:$0x0];
	s2 =	stileid.u32  }
0x5d: {  	s1 =	rddreg [dreg:$0x1];
	p0 =	sne.s32 s2, $0x0  }
0x5e: {  	s3 =	rddreg [dreg:$0x2];
	[bflag:$0x3] =	sbarrier.arrive $0xFFFF;
	s2 =	simm.s32 @!p0 $0x1C01  }
0x5f: {  	[timem:s3], [sflag:s2] =	dma.local @!p0 [hbm:s0], s1  }
0x60: {  	s0 =	simm.s32 @!p0 $0x1  }
0x61: {  	_ =	swait.ge @!p0 [sflag:s0], s1  }
0x62: {  	s1 =	ssub.s32 @!p0 $0x0, s1;
	[sflag:s0] =	ssyncset.done @!p0 $0x0  }
0x63: {  	[sflag:s0] =	ssyncadd.s32 @!p0 s1  }
0x64: {  	[bflag:$0x3] =	sbarrier.arrive $0xFFFF  }
0x65: {  	_ =	shalt  }

// kernel: kernel.9.cloned.1.call-start
scs
__scs_entry_jumppad:
0x0: {  	(pc) =	sbr.rel $0x88, $3  }
0x1: {  	(tag) =	ssettag $0x0;
	lr =	simm.s32 $0x1  }
0x2: {  	[smem:$0x3F9D] =	sst lr;
	_ =	strace $0xD0000000  }
0x3: {  	_ = 	snop  }
0x4: {  	_ = 	snop  }
0x5: {  	_ = 	snop  }
0x6: {  	_ = 	snop  }
0x7: {  	_ = 	snop  }
__scs_overlays_trampoline_lowered:
0x8: {  	[smem:$0x3FAC] =	sst s0  }
0x9: {  	[smem:$0x3FAD] =	sst s1  }
0xa: {  	[smem:$0x3FAE] =	sst s2  }
0xb: {  	[smem:$0x3FAF] =	sst s3  }
0xc: {  	[smem:$0x3FB0] =	sst s4  }
0xd: {  	[smem:$0x3FB1] =	sst s5  }
0xe: {  	[smem:$0x3FB2] =	sst s6  }
0xf: {  	[smem:$0x3FB3] =	sst s7  }
0x10: {  	[smem:$0x3FB4] =	sst s8  }
0x11: {  	[smem:$0x3FB5] =	sst s9;
	s0 =	simm.s32 @!p0 $0x0  }
0x12: {  	s1 =	sld [smem:$0x3F9B];
	s0 =	simm.s32 @p0 $0x1  }
0x13: {  	[smem:$0x3FB6] =	sst s0;
	s0 =	simm.s32 @!p1 $0x0  }
0x14: {  	s2 =	sld [smem:$0x3F9A];
	s0 =	simm.s32 @p1 $0x1  }
0x15: {  	[smem:$0x3FB7] =	sst s0;
	s0 =	simm.s32 @!p2 $0x0  }
0x16: {  	s3 =	sld [smem:$0x3FDB];
	s0 =	simm.s32 @p2 $0x1  }
0x17: {  	s4 =	simm.s32 $0x1BF5;
	[smem:$0x3FB9] =	sst s0  }
0x18: {  	s0 =	sld [smem:$0x3F9C];
	_ =	swait.ge [sflag:s4], $0x0  }
0x19: {  	s7 =	sld [smem:$0x3F9D]  }
0x1a: {  	s8 =	sadd.s32 $0xFFFFE003, lr  }
0x1b: {  	s9 =	sadd.s32 $0xFFFFFEF7, lr;
	s5 =	simm.s32 $0xFFFFFFFF;
	p2 =	slt.u32 s8, $0xFFFFF086  }
0x1c: {  	p1 =	slt.u32 s9, $0xF7A;
	s5 =	simm.s32 @!p2 $0x0  }
0x1d: {  	s5 =	simm.s32 @p1 $0x1;
	p0 =	seq.s32 s7, s2  }
0x1e: {  	s7 =	smul.u32 @!p0 $0xF7A, s2;
	p2 =	seq.s32 @!p0 s5, $0x0  }
0x1f: {  	s9 =	smul.u32 $0xF7A, s1;
	s8 =	simm.s32 @!p0 $0x1BF5;
	p2 =	por !p2, p0  }
0x20: {  	[sflag:s8] =	ssyncset.s32 @!p0 $0xFFFFF086;
	s6 =	sadd.s32 @!p0 s3, s7;
	s7 =	simm.s32 @!p0 $0x108  }
0x21: {  	s3 =	sadd.s32 s3, s9;
	s6 =	sadd.s32 @!p0 $0x88, s6;
	s7 =	simm.s32 @p2 $0x1082  }
0x22: {  	[simem:s7], [sflag:s8] =	dma.local @!p0 [hbm:s6], $0xF7A  }
0x23: {  	s9 =	sor.u32 $0xD0000000, s2;
	s6 =	simm.s32 $0x108;
	_ =	swait.ge @!p0 [sflag:s8], $0x0  }
0x24: {  	s3 =	sadd.s32 $0x88, s3;
	s6 =	simm.s32 @!p1 $0x1082;
	[sflag:s4] =	ssyncset.s32 $0xFFFFF086  }
0x25: {  	[simem:s6], [sflag:s4] =	dma.local [hbm:s3], $0xF7A  }
0x26: {  	[smem:$0x3F9D] =	sst s1;
	(tag) =	ssettag s2;
	_ =	strace s9  }
0x27: {  	s1 =	sld [smem:$0x3FAD]  }
0x28: {  	s2 =	sld [smem:$0x3FAE]  }
0x29: {  	s4 =	sld [smem:$0x3FB0]  }
0x2a: {  	p0 =	seq.s32 s5, $0x0;
	s5 =	sld [smem:$0x3FB1]  }
0x2b: {  	s6 =	sld [smem:$0x3FB2]  }
0x2c: {  	s7 =	sld [smem:$0x3FB3]  }
0x2d: {  	s3 =	simm.s32 $0x108;
	s8 =	sld [smem:$0x3FB4]  }
0x2e: {  	s3 =	simm.s32 @!p0 $0x1082;
	s9 =	sld [smem:$0x3FB5]  }
0x2f: {  	lr =	sadd.s32 s0, s3;
	s0 =	sld [smem:$0x3FAC]  }
0x30: {  	s3 =	sld [smem:$0x3FAF]  }
0x31: {  	[smem:$0x3FB8] =	sst s10  }
0x32: {  	s10 =	sld [smem:$0x3FB6];
	_ =	sdelay $0x3  }
0x33: {  	p0 =	seq.s32 s10, $0x1;
	s10 =	sld [smem:$0x3FB8];
	_ =	sdelay $0x3  }
0x34: {  	[smem:$0x3FB8] =	sst s10  }
0x35: {  	s10 =	sld [smem:$0x3FB7];
	_ =	sdelay $0x3  }
0x36: {  	p1 =	seq.s32 s10, $0x1;
	s10 =	sld [smem:$0x3FB8];
	_ =	sdelay $0x3  }
0x37: {  	[smem:$0x3FB8] =	sst s10  }
0x38: {  	s10 =	sld [smem:$0x3FB9]  }
0x39: {  	_ = 	snop;
	(pc) =	sbr.ind lr, $3  }
0x3a: {  	_ = 	snop  }
0x3b: {  	_ = 	snop  }
0x3c: {  	p2 =	seq.s32 s10, $0x1;
	s10 =	sld [smem:$0x3FB8]  }
0x3d: {  	_ =	shalt  }
0x3e: {  	_ =	shalt  }
0x3f: {  	_ =	shalt  }
0x40: {  	_ =	shalt  }
0x41: {  	_ =	shalt  }
0x42: {  	_ =	shalt  }
0x43: {  	_ =	shalt  }
0x44: {  	_ =	shalt  }
0x45: {  	_ =	shalt  }
0x46: {  	_ =	shalt  }
0x47: {  	_ =	shalt  }
0x48: {  	_ =	shalt  }
0x49: {  	_ =	shalt  }
0x4a: {  	_ =	shalt  }
0x4b: {  	_ =	shalt  }
0x4c: {  	_ =	shalt  }
0x4d: {  	_ =	shalt  }
0x4e: {  	_ =	shalt  }
0x4f: {  	_ =	shalt  }
0x50: {  	_ =	shalt  }
0x51: {  	_ =	shalt  }
0x52: {  	_ =	shalt  }
0x53: {  	_ =	shalt  }
0x54: {  	_ =	shalt  }
0x55: {  	_ =	shalt  }
0x56: {  	_ =	shalt  }
0x57: {  	_ =	shalt  }
0x58: {  	_ =	shalt  }
0x59: {  	_ =	shalt  }
0x5a: {  	_ =	shalt  }
0x5b: {  	_ =	shalt  }
0x5c: {  	_ =	shalt  }
0x5d: {  	_ =	shalt  }
0x5e: {  	_ =	shalt  }
0x5f: {  	_ =	shalt  }
0x60: {  	_ =	shalt  }
0x61: {  	_ =	shalt  }
0x62: {  	_ =	shalt  }
0x63: {  	_ =	shalt  }
0x64: {  	_ =	shalt  }
0x65: {  	_ =	shalt  }
0x66: {  	_ =	shalt  }
0x67: {  	_ =	shalt  }
0x68: {  	_ =	shalt  }
0x69: {  	_ =	shalt  }
0x6a: {  	_ =	shalt  }
0x6b: {  	_ =	shalt  }
0x6c: {  	_ =	shalt  }
0x6d: {  	_ =	shalt  }
0x6e: {  	_ =	shalt  }
0x6f: {  	_ =	shalt  }
0x70: {  	_ =	shalt  }
0x71: {  	_ =	shalt  }
0x72: {  	_ =	shalt  }
0x73: {  	_ =	shalt  }
0x74: {  	_ =	shalt  }
0x75: {  	_ =	shalt  }
0x76: {  	_ =	shalt  }
0x77: {  	_ =	shalt  }
0x78: {  	_ =	shalt  }
0x79: {  	_ =	shalt  }
0x7a: {  	_ =	shalt  }
0x7b: {  	_ =	shalt  }
0x7c: {  	_ =	shalt  }
0x7d: {  	_ =	shalt  }
0x7e: {  	_ =	shalt  }
0x7f: {  	_ =	shalt  }
0x80: {  	_ =	shalt  }
0x81: {  	_ =	shalt  }
0x82: {  	_ =	shalt  }
0x83: {  	_ =	shalt  }
0x84: {  	_ =	shalt  }
0x85: {  	_ =	shalt  }
0x86: {  	_ =	shalt  }
0x87: {  	_ =	shalt  }
.Lfunc_end0:
.L_simem_size_0:
called_computation.1_lowered:
.L_overlay_start_0:
0x88: {  	s2 =	sld [smem:$0x3FD9]  }
0x89: {  	s3 =	sld [smem:$0x3FFE];
	_ =	sdelay $0x1  }
0x8a: {  	s1 =	srdreg.scid  }
0x8b: {  	s0 =	sand.u32 $0x1, s1  }
0x8c: {  	s17 =	sshll.u32 s0, $0xA;
	s2 =	sadd.s32 s3, s2  }
0x8d: {  	s2 =	sadd.s32 s2, s17  }
0x8e: {  	[smem:$0x3FC4] =	sst s2  }
0x8f: {  	_ = 	snop  }
0x90: {  	s2 =	sld [smem:$0x3FD0];
	(tm) =	ssettm $0x1  }
0x91: {  	s18 =	sld [smem:$0x3FFB];
	_ =	sdelay $0x3  }
0x92: {  	_ =	strace s18  }
0x93: {  	s3 =	sld [smem:$0x3FFC];
	_ =	sdelay $0x3  }
0x94: {  	_ =	strace s3  }
0x95: {  	s3 =	sld [smem:$0x3FFD];
	_ =	sdelay $0x3  }
0x96: {  	_ =	strace s3  }
0x97: {  	_ =	strace $0x8FFFFFFF  }
0x98: {  	s19 =	sld [smem:$0x3FDB];
	_ =	sdelay $0x1  }
0x99: {  	s4 =	simm.s32 $_scs_section_size  }
0x9a: {  	s5 =	simm.s32 $_size__tile_overlayer_lowered;
	s6 =	simm.s32 $_tile_overlayer_lowered  }
0x9b: {  	s22 =	simm.s32 $0x1BFF;
	s21 =	sshll.u32 s6, $0x1;
	s3 =	sadd.s32 s4, s19  }
0x9c: {  	s7 =	simm.s32 $0x0;
	s20 =	sshll.u32 s5, $0x1;
	s5 =	sadd.s32 s21, s3  }
0x9d: {  	[timem:s7], [sflag:s22] =	dma.local [hbm:s5], s20  }
0x9e: {  	_ =	swait.ge [sflag:s22], s20  }
0x9f: {  	s4 =	ssub.s32 $0x0, s20;
	[sflag:s22] =	ssyncset.done $0x0  }
0xa0: {  	[sflag:s22] =	ssyncadd.s32 s4;
	_ =	sdelay $0x1  }
0xa1: {  	s23 =	simm.s32 $0x1B8B  }
0xa2: {  	_ =	swait.ge [sflag:s23], $0x1  }
0xa3: {  	[sflag:s23] =	ssyncset.done $0x0  }
0xa4: {  	s25 =	simm.s32 $0x1B8E;
	s24 =	sld [smem:$0x3FFE];
	[sflag:s23] =	ssyncadd.s32 $0xFFFFFFFF  }
0xa5: {  	s26 =	simm.s32 $execute0_lowered;
	[smem:$0x3FD2] =	sst s25  }
0xa6: {  	s5 =	sshll.u32 s26, $0x1;
	_ =	strace $0x80000049;
	[dreg:$0x1] =	wrdreg $0xFFFFFFFF  }
0xa7: {  	s28 =	simm.s32 $_size_execute0_lowered;
	s3 =	sadd.s32 s3, s5;
	[dreg:$0x0] =	wrdreg $0x0  }
0xa8: {  	s5 =	sshll.u32 s28, $0x1;
	[dreg:$0x2] =	wrdreg s3  }
0xa9: {  	[dreg:$0x3] =	wrdreg s5  }
0xaa: {  	[dreg:$0x4] =	wrdreg $0xC0  }
0xab: {  	_ =	task [dreg:s7], $0x5FFFF  }
0xac: {  	[dreg:$0x1] =	wrdreg $0xFFFFFFFF  }
0xad: {  	[dreg:$0x0] =	wrdreg $0x60  }
0xae: {  	[dreg:$0x2] =	wrdreg s2  }
0xaf: {  	[dreg:$0x3] =	wrdreg s24  }
0xb0: {  	[dreg:$0x4] =	wrdreg $0xB3000  }
0xb1: {  	[dreg:$0x5] =	wrdreg $0x9  }
0xb2: {  	_ =	task.clear_ibuf [dreg:s7], $0x6FFFF;
	_ =	strace $0x90000049  }
0xb3: {  	s29 =	simm.s32 $0x9;
	_ =	strace $0x8000004B  }
0xb4: {  	_ =	swait.ge [sflag:s29], $0x1  }
0xb5: {  	[sflag:s29] =	ssyncadd.s32 $0xFFFFFFFF  }
0xb6: {  	_ =	strace $0x9000004B  }
0xb7: {  	_ =	sfence  }
0xb8: {  	s30 =	sld [smem:$0x0];
	_ =	sdelay $0x2  }
0xb9: {  	s31 =	sshll.u32 s1, $0xD;
	s1 =	sshrl.u32 s1, $0x2  }
0xba: {  	s3 =	sand.u32 $0x4000, s31;
	s1 =	sadd.s32 s1, s30  }
0xbb: {  	s0 =	sor.u32 s3, s0;
	s1 =	sshll.u32 s1, $0x11  }
0xbc: {  	s0 =	sor.u32 s1, s0  }
0xbd: {  	s0 =	sadd.s32 $0x8F2B, s0  }
0xbe: {  	[sflag:s0] =	ssyncadd.remote.s32 $0x1  }
0xbf: {  	_ =	sfence.sel $0xFFFF  }
0xc0: {  	[dreg:$0x0] =	wrdreg $0xFFFFFFFF;
	(pc) =	sbr.abs _section_cstart, $3  }
0xc1: {  	[dreg:$0x1] =	wrdreg $0xFFFFFFFF  }
0xc2: {  	_ =	task.clear_ibuf [dreg:s7], $0x2FFFF;
	_ =	strace $0x9FFFFFFF  }
0xc3: {  	(tm) =	ssettm $0x7FFFFFFF  }
tec
execute0_lowered:
.L_overlay_start_1:
0x0: {  	(tag) =	ssettag $0x1  }
0x1: {  	s0 =	srdreg.scid;
	s8 =	stileid.u32  }
0x2: {  	s2 =	rddreg [dreg:$0x0];
	s7 =	smul.u32 $0x14000, s8  }
0x3: {  	s0 =	sand.u32 $0x1, s0;
	s1 =	sshll.u32 s8, $0x1;
	s8 =	smul.u32 $0x50000, s8  }
0x4: {  	s5 =	rddreg [dreg:$0x1];
	s1 =	sor.u32 s0, s1;
	s6 =	smul.u32 $0x140000, s0  }
0x5: {  	s3 =	rddreg [dreg:$0x2];
	s1 =	smul.u32 $0x2710, s1  }
0x6: {  	s4 =	simm.s32 $0x0;
	s28 =	simm.s32 $0x2780;
	s6 =	sadd.s32 s7, s6  }
0x7: {  	s13 =	sshrl.u32 s8, $0x2;
	s1 =	sshrl.u32 s1, $0x3;
	s6 =	sshrl.u32 s6, $0x3  }
0x8: {  	s1 =	sadd.s32 s1, s5;
	s6 =	sadd.s32 s6, s5;
	s5 =	sadd.s32 s13, s3  }
0x9: {  	s29 =	simm.s32 $0x28;
	[smem:$0x7FF] =	sst s4;
	s7 =	sadd.s32 $0x1400, s5  }
0xa: {  	_ =	strace $0x8000004A;
	s15 =	sadd.s32 $0x2800, s5;
	[dreg:$0x4] =	wrdreg s7  }
0xb: {  	s30 =	simm.s32 $0x6300;
	s16 =	sadd.s32 $0x3C00, s5;
	[dreg:$0x5] =	wrdreg s15  }
0xc: {  	s31 =	simm.s32 $0x8B00;
	s17 =	sadd.s32 $0x5000, s5;
	[dreg:$0x6] =	wrdreg s16  }
0xd: {  	s9 =	simm.s32 $0x3;
	s18 =	sadd.s32 $0x6400, s5;
	[dreg:$0x7] =	wrdreg s17  }
0xe: {  	s10 =	simm.s32 $0x7;
	s19 =	sadd.s32 $0x7800, s5;
	[dreg:$0x8] =	wrdreg s18  }
0xf: {  	s11 =	simm.s32 $0x4;
	s20 =	sadd.s32 $0x8C00, s5;
	[dreg:$0x9] =	wrdreg s19  }
0x10: {  	s12 =	simm.s32 $0x8;
	s21 =	sadd.s32 $0xA000, s5;
	[dreg:$0xa] =	wrdreg s20  }
0x11: {  	s0 =	ssub.s32 $0x2, s0;
	s22 =	sadd.s32 $0xB400, s5;
	[dreg:$0xb] =	wrdreg s21  }
0x12: {  	s14 =	sshrl.u32 s0, $0x1;
	s23 =	sadd.s32 $0xC800, s5;
	[dreg:$0xc] =	wrdreg s22  }
0x13: {  	s8 =	simm.s32 $0x6;
	s24 =	sadd.s32 $0xDC00, s5;
	[dreg:$0xd] =	wrdreg s23  }
0x14: {  	s0 =	ssub.s32 s0, s14;
	s25 =	sadd.s32 $0xF000, s5;
	[dreg:$0xe] =	wrdreg s24  }
0x15: {  	s14 =	simm.s32 $0x9;
	s26 =	sadd.s32 $0x10400, s5;
	[dreg:$0xf] =	wrdreg s25  }
0x16: {  	s13 =	simm.s32 $0x5;
	[dreg:$0x10] =	wrdreg s26;
	s19 =	sadd.s32 $0x11800, s5  }
0x17: {  	s20 =	sadd.s32 $0x12C00, s5;
	s21 =	sadd.s32 $0x1C00, s1;
	s22 =	sadd.s32 $0xB840, s1  }
0x18: {  	s23 =	sadd.s32 $0x15600, s6;
	s24 =	smax.u32 s0, $0x1;
	s25 =	simm.s32 $0x4F00  }
0x19: {  	s26 =	simm.s32 $0xB;
	s1 =	simm.s32 $0x7700;
	s0 =	simm.s32 $0x9F00  }
0x1a: {  	v0 =	vimm.f32 $0.0e+00;
	s6 =	simm.s32 $0x1;
	s7 =	simm.s32 $0x2;
	s15 =	simm.s32 $0xA  }
.LBB2_1:
0x1b: {  	s16 =	simm.s32 $0x0;
	s17 =	simm.s32 $0x200  }
.LBB2_2:
0x1c: {  	p0 =	sne.s32 s17, $0x4E00;
	[tilespmem:s16+$0x4F70] =	vst v0  }
0x1d: {  	[tilespmem:s16+$0x4F00] =	vst v0  }
0x1e: {  	[tilespmem:s16+$0x4F10] =	vst v0  }
.Ltmp0:
0x1f: {  	[tilespmem:s16+$0x4F20] =	vst v0;
	(pc) =	sbr.rel @p0 .LBB2_2-.Ltmp0, $4  }
0x20: {  	[tilespmem:s16+$0x4F30] =	vst v0  }
0x21: {  	[tilespmem:s16+$0x4F40] =	vst v0  }
0x22: {  	[tilespmem:s16+$0x4F50] =	vst v0  }
0x23: {  	[tilespmem:s16+$0x4F60] =	vst v0;
	s16 =	sshra.s32 s17, $0x2;
	s17 =	sadd.s32 $0x200, s17  }
0x24: {  	[tilespmem:s16+$0x4F70] =	vst v0  }
0x25: {  	[tilespmem:s16+$0x4F00] =	vst v0  }
0x26: {  	[tilespmem:s16+$0x4F10] =	vst v0  }
0x27: {  	[tilespmem:s16+$0x4F20] =	vst v0  }
0x28: {  	[tilespmem:s16+$0x4F30] =	vst v0  }
0x29: {  	[tilespmem:s16+$0x4F40] =	vst v0  }
0x2a: {  	[tilespmem:s16+$0x4F50] =	vst v0  }
0x2b: {  	[tilespmem:s16+$0x4F60] =	vst v0  }
0x2c: {  	[spmem:s5] =	stream.linear.scatter [tilespmem:s25], [sflag:$0xB], $0x1400, $0x38;
	[tilespmem:$0x1F300] =	vst v63  }
0x2d: {  	_ =	swait.ge [sflag:s26], $0x1400  }
0x2e: {  	[sflag:s26] =	ssyncset.done $0x0  }
0x2f: {  	s18 =	rddreg [dreg:$0x4];
	[sflag:s26] =	ssyncadd.s32 $0xFFFFEC00  }
0x30: {  	[spmem:s18] =	stream.linear.scatter [tilespmem:s25], [sflag:$0xB], $0x1400, $0x38;
	[tilespmem:$0x1F300] =	vst v63  }
0x31: {  	_ =	swait.ge [sflag:s26], $0x1400  }
0x32: {  	[sflag:s26] =	ssyncset.done $0x0  }
0x33: {  	s17 =	rddreg [dreg:$0x5];
	[sflag:s26] =	ssyncadd.s32 $0xFFFFEC00  }
0x34: {  	[spmem:s17] =	stream.linear.scatter [tilespmem:s25], [sflag:$0xB], $0x1400, $0x38;
	[tilespmem:$0x1F300] =	vst v63  }
0x35: {  	_ =	swait.ge [sflag:s26], $0x1400  }
0x36: {  	[sflag:s26] =	ssyncset.done $0x0  }
0x37: {  	s18 =	rddreg [dreg:$0x6];
	[sflag:s26] =	ssyncadd.s32 $0xFFFFEC00  }
0x38: {  	[spmem:s18] =	stream.linear.scatter [tilespmem:s25], [sflag:$0xB], $0x1400, $0x38;
	[tilespmem:$0x1F300] =	vst v63  }
0x39: {  	_ =	swait.ge [sflag:s26], $0x1400  }
0x3a: {  	[sflag:s26] =	ssyncset.done $0x0  }
0x3b: {  	s17 =	rddreg [dreg:$0x7];
	[sflag:s26] =	ssyncadd.s32 $0xFFFFEC00  }
0x3c: {  	[spmem:s17] =	stream.linear.scatter [tilespmem:s25], [sflag:$0xB], $0x1400, $0x38;
	[tilespmem:$0x1F300] =	vst v63  }
0x3d: {  	_ =	swait.ge [sflag:s26], $0x1400  }
0x3e: {  	[sflag:s26] =	ssyncset.done $0x0  }
0x3f: {  	s18 =	rddreg [dreg:$0x8];
	[sflag:s26] =	ssyncadd.s32 $0xFFFFEC00  }
0x40: {  	[spmem:s18] =	stream.linear.scatter [tilespmem:s25], [sflag:$0xB], $0x1400, $0x38;
	[tilespmem:$0x1F300] =	vst v63  }
0x41: {  	_ =	swait.ge [sflag:s26], $0x1400  }
0x42: {  	[sflag:s26] =	ssyncset.done $0x0  }
0x43: {  	s17 =	rddreg [dreg:$0x9];
	[sflag:s26] =	ssyncadd.s32 $0xFFFFEC00  }
0x44: {  	[spmem:s17] =	stream.linear.scatter [tilespmem:s25], [sflag:$0xB], $0x1400, $0x38;
	[tilespmem:$0x1F300] =	vst v63  }
0x45: {  	_ =	swait.ge [sflag:s26], $0x1400  }
0x46: {  	[sflag:s26] =	ssyncset.done $0x0  }
0x47: {  	s18 =	rddreg [dreg:$0xa];
	[sflag:s26] =	ssyncadd.s32 $0xFFFFEC00  }
0x48: {  	[spmem:s18] =	stream.linear.scatter [tilespmem:s25], [sflag:$0xB], $0x1400, $0x38;
	[tilespmem:$0x1F300] =	vst v63  }
0x49: {  	_ =	swait.ge [sflag:s26], $0x1400  }
0x4a: {  	[sflag:s26] =	ssyncset.done $0x0  }
0x4b: {  	s17 =	rddreg [dreg:$0xb];
	[sflag:s26] =	ssyncadd.s32 $0xFFFFEC00  }
0x4c: {  	[spmem:s17] =	stream.linear.scatter [tilespmem:s25], [sflag:$0xB], $0x1400, $0x38;
	[tilespmem:$0x1F300] =	vst v63  }
0x4d: {  	_ =	swait.ge [sflag:s26], $0x1400  }
0x4e: {  	[sflag:s26] =	ssyncset.done $0x0  }
0x4f: {  	s18 =	rddreg [dreg:$0xc];
	[sflag:s26] =	ssyncadd.s32 $0xFFFFEC00  }
0x50: {  	[spmem:s18] =	stream.linear.scatter [tilespmem:s25], [sflag:$0xB], $0x1400, $0x38;
	[tilespmem:$0x1F300] =	vst v63  }
0x51: {  	_ =	swait.ge [sflag:s26], $0x1400  }
0x52: {  	[sflag:s26] =	ssyncset.done $0x0  }
0x53: {  	s17 =	rddreg [dreg:$0xd];
	[sflag:s26] =	ssyncadd.s32 $0xFFFFEC00  }
0x54: {  	[spmem:s17] =	stream.linear.scatter [tilespmem:s25], [sflag:$0xB], $0x1400, $0x38;
	[tilespmem:$0x1F300] =	vst v63  }
0x55: {  	_ =	swait.ge [sflag:s26], $0x1400  }
0x56: {  	[sflag:s26] =	ssyncset.done $0x0  }
0x57: {  	s18 =	rddreg [dreg:$0xe];
	[sflag:s26] =	ssyncadd.s32 $0xFFFFEC00  }
0x58: {  	[spmem:s18] =	stream.linear.scatter [tilespmem:s25], [sflag:$0xB], $0x1400, $0x38;
	[tilespmem:$0x1F300] =	vst v63  }
0x59: {  	_ =	swait.ge [sflag:s26], $0x1400  }
0x5a: {  	[sflag:s26] =	ssyncset.done $0x0  }
0x5b: {  	s17 =	rddreg [dreg:$0xf];
	[sflag:s26] =	ssyncadd.s32 $0xFFFFEC00  }
0x5c: {  	[spmem:s17] =	stream.linear.scatter [tilespmem:s25], [sflag:$0xB], $0x1400, $0x38;
	[tilespmem:$0x1F300] =	vst v63  }
0x5d: {  	_ =	swait.ge [sflag:s26], $0x1400  }
0x5e: {  	[sflag:s26] =	ssyncset.done $0x0  }
0x5f: {  	s18 =	rddreg [dreg:$0x10];
	[sflag:s26] =	ssyncadd.s32 $0xFFFFEC00  }
0x60: {  	[spmem:s18] =	stream.linear.scatter [tilespmem:s25], [sflag:$0xB], $0x1400, $0x38;
	[tilespmem:$0x1F300] =	vst v63  }
0x61: {  	_ =	swait.ge [sflag:s26], $0x1400  }
0x62: {  	[sflag:s26] =	ssyncset.done $0x0  }
0x63: {  	[sflag:s26] =	ssyncadd.s32 $0xFFFFEC00  }
0x64: {  	[spmem:s19] =	stream.linear.scatter [tilespmem:s25], [sflag:$0xB], $0x1400, $0x38;
	[tilespmem:$0x1F300] =	vst v63  }
0x65: {  	_ =	swait.ge [sflag:s26], $0x1400  }
0x66: {  	[sflag:s26] =	ssyncset.done $0x0  }
0x67: {  	[sflag:s26] =	ssyncadd.s32 $0xFFFFEC00  }
0x68: {  	[spmem:s20] =	stream.linear.scatter [tilespmem:s25], [sflag:$0xB], $0x1400, $0x38;
	[tilespmem:$0x1F300] =	vst v63  }
0x69: {  	_ =	swait.ge [sflag:s26], $0x1400  }
0x6a: {  	[sflag:s26] =	ssyncset.done $0x0  }
0x6b: {  	s17 =	simm.s32 $0x0;
	[sflag:s26] =	ssyncadd.s32 $0xFFFFEC00  }
0x6c: {  	[tilespmem:s17], [sflag:$0xB] =	stream.linear.gather [hbm4b:s21+s17], $0x2710, $0x38;
	[tilespmem:$0x1F300] =	vst v63  }
0x6d: {  	_ =	swait.ge [sflag:s26], $0x2710  }
0x6e: {  	[sflag:s26] =	ssyncset.done $0x0  }
0x6f: {  	[sflag:s26] =	ssyncadd.s32 $0xFFFFD8F0  }
0x70: {  	[tilespmem:s28], [sflag:$0xB] =	stream.linear.gather [hbm4b:s22+s17], $0x2710, $0x38;
	[tilespmem:$0x1F300] =	vst v63  }
0x71: {  	_ =	swait.ge [sflag:s26], $0x2710  }
0x72: {  	[sflag:s26] =	ssyncset.done $0x0  }
0x73: {  	[sflag:s26] =	ssyncadd.s32 $0xFFFFD8F0  }
0x74: {  	[bflag:$0x0] =	sbarrier.arrive $0xFFFF  }
0x75: {  	[tilespmem:s25], [sflag:$0x1] =	stream.indirect.gather [hbm4b:s2+s29], $0x80, s17, s29, $0xb8;
	[tilespmem:$0x1F300] =	vst v63  }
0x76: {  	_ = 	snop  }
0x77: {  	[tilespmem:s30], [sflag:$0x2] =	stream.indirect.gather [hbm4b:s2+s29], $0x80, s29, s29, $0xb8;
	[tilespmem:$0x1F300] =	vst v63  }
0x78: {  	s18 =	simm.s32 $0x50  }
0x79: {  	[tilespmem:s1], [sflag:$0x3] =	stream.indirect.gather [hbm4b:s2+s29], $0x80, s18, s29, $0xb8;
	[tilespmem:$0x1F300] =	vst v63  }
0x7a: {  	s17 =	simm.s32 $0x78  }
0x7b: {  	[tilespmem:s31], [sflag:$0x4] =	stream.indirect.gather [hbm4b:s2+s29], $0x80, s17, s29, $0xb8;
	[tilespmem:$0x1F300] =	vst v63  }
0x7c: {  	s18 =	simm.s32 $0xA0  }
0x7d: {  	[tilespmem:s0], [sflag:$0x5] =	stream.indirect.gather [hbm4b:s2+s29], $0x80, s18, s29, $0xb8;
	[tilespmem:$0x1F300] =	vst v63  }
0x7e: {  	_ =	swait.ge [sflag:s6], $0x1400  }
0x7f: {  	[sflag:s6] =	ssyncset.done $0x0  }
0x80: {  	[sflag:s6] =	ssyncadd.s32 $0xFFFFEC00  }
0x81: {  	[spmem:s3] =	stream.indirect.scatter.add.f32 [tilespmem:s25], [sflag:$0x6], $0x80, s28, s29, $0xb8;
	[tilespmem:$0x1F300] =	vst v63  }
0x82: {  	_ =	swait.ge [sflag:s7], $0x1400  }
0x83: {  	[sflag:s7] =	ssyncset.done $0x0  }
0x84: {  	s17 =	simm.s32 $0x27A8;
	[sflag:s7] =	ssyncadd.s32 $0xFFFFEC00  }
0x85: {  	[spmem:s3] =	stream.indirect.scatter.add.f32 [tilespmem:s30], [sflag:$0x7], $0x80, s17, s29, $0xb8;
	[tilespmem:$0x1F300] =	vst v63  }
0x86: {  	_ =	swait.ge [sflag:s8], $0x1400  }
0x87: {  	[sflag:s8] =	ssyncset.done $0x0  }
0x88: {  	s18 =	simm.s32 $0xC8;
	[sflag:s8] =	ssyncadd.s32 $0xFFFFEC00  }
0x89: {  	[tilespmem:s25], [sflag:$0x1] =	stream.indirect.gather [hbm4b:s2+s29], $0x80, s18, s29, $0xb8;
	[tilespmem:$0x1F300] =	vst v63  }
0x8a: {  	_ =	swait.ge [sflag:s9], $0x1400  }
0x8b: {  	[sflag:s9] =	ssyncset.done $0x0  }
0x8c: {  	s17 =	simm.s32 $0x27D0;
	[sflag:s9] =	ssyncadd.s32 $0xFFFFEC00  }
0x8d: {  	[spmem:s3] =	stream.indirect.scatter.add.f32 [tilespmem:s1], [sflag:$0x8], $0x80, s17, s29, $0xb8;
	[tilespmem:$0x1F300] =	vst v63  }
0x8e: {  	_ =	swait.ge [sflag:s10], $0x1400  }
0x8f: {  	[sflag:s10] =	ssyncset.done $0x0  }
0x90: {  	s18 =	simm.s32 $0xF0;
	[sflag:s10] =	ssyncadd.s32 $0xFFFFEC00  }
0x91: {  	[tilespmem:s30], [sflag:$0x2] =	stream.indirect.gather [hbm4b:s2+s29], $0x80, s18, s29, $0xb8;
	[tilespmem:$0x1F300] =	vst v63  }
0x92: {  	_ =	swait.ge [sflag:s11], $0x1400  }
0x93: {  	[sflag:s11] =	ssyncset.done $0x0  }
0x94: {  	s17 =	simm.s32 $0x27F8;
	[sflag:s11] =	ssyncadd.s32 $0xFFFFEC00  }
0x95: {  	[spmem:s3] =	stream.indirect.scatter.add.f32 [tilespmem:s31], [sflag:$0x9], $0x80, s17, s29, $0xb8;
	[tilespmem:$0x1F300] =	vst v63  }
0x96: {  	_ =	swait.ge [sflag:s12], $0x1400  }
0x97: {  	[sflag:s12] =	ssyncset.done $0x0  }
0x98: {  	s18 =	simm.s32 $0x118;
	[sflag:s12] =	ssyncadd.s32 $0xFFFFEC00  }
0x99: {  	[tilespmem:s1], [sflag:$0x3] =	stream.indirect.gather [hbm4b:s2+s29], $0x80, s18, s29, $0xb8;
	[tilespmem:$0x1F300] =	vst v63  }
0x9a: {  	_ =	swait.ge [sflag:s13], $0x1400  }
0x9b: {  	[sflag:s13] =	ssyncset.done $0x0  }
0x9c: {  	s17 =	simm.s32 $0x2820;
	[sflag:s13] =	ssyncadd.s32 $0xFFFFEC00  }
0x9d: {  	[spmem:s3] =	stream.indirect.scatter.add.f32 [tilespmem:s0], [sflag:$0xA], $0x80, s17, s29, $0xb8;
	[tilespmem:$0x1F300] =	vst v63  }
0x9e: {  	_ =	swait.ge [sflag:s14], $0x1400  }
0x9f: {  	[sflag:s14] =	ssyncset.done $0x0  }
0xa0: {  	s18 =	simm.s32 $0x140;
	[sflag:s14] =	ssyncadd.s32 $0xFFFFEC00  }
0xa1: {  	[tilespmem:s31], [sflag:$0x4] =	stream.indirect.gather [hbm4b:s2+s29], $0x80, s18, s29, $0xb8;
	[tilespmem:$0x1F300] =	vst v63  }
0xa2: {  	_ =	swait.ge [sflag:s6], $0x1400  }
0xa3: {  	[sflag:s6] =	ssyncset.done $0x0  }
0xa4: {  	s17 =	simm.s32 $0x2848;
	[sflag:s6] =	ssyncadd.s32 $0xFFFFEC00  }
0xa5: {  	[spmem:s3] =	stream.indirect.scatter.add.f32 [tilespmem:s25], [sflag:$0x6], $0x80, s17, s29, $0xb8;
	[tilespmem:$0x1F300] =	vst v63  }
0xa6: {  	_ =	swait.ge [sflag:s15], $0x1400  }
0xa7: {  	[sflag:s15] =	ssyncset.done $0x0  }
0xa8: {  	s18 =	simm.s32 $0x168;
	[sflag:s15] =	ssyncadd.s32 $0xFFFFEC00  }
0xa9: {  	[tilespmem:s0], [sflag:$0x5] =	stream.indirect.gather [hbm4b:s2+s29], $0x80, s18, s29, $0xb8;
	[tilespmem:$0x1F300] =	vst v63  }
0xaa: {  	_ =	swait.ge [sflag:s7], $0x1400  }
0xab: {  	[sflag:s7] =	ssyncset.done $0x0  }
0xac: {  	s16 =	simm.s32 $0x320;
	s17 =	simm.s32 $0x2870;
	[sflag:s7] =	ssyncadd.s32 $0xFFFFEC00  }
.LBB2_4:
0xad: {  	[spmem:s3] =	stream.indirect.scatter.add.f32 [tilespmem:s30], [sflag:$0x7], $0x80, s17, s29, $0xb8;
	[tilespmem:$0x1F300] =	vst v63  }
0xae: {  	s17 =	smov.u32 s16  }
0xaf: {  	p0 =	sne.s32 s16, $0x9600;
	s16 =	sadd.s32 $0x320, s16;
	_ =	swait.ge [sflag:s8], $0x1400  }
0xb0: {  	s17 =	sshra.s32 s17, $0x2;
	[sflag:s8] =	ssyncset.done $0x0  }
0xb1: {  	s18 =	sadd.s32 $0xC8, s17;
	[sflag:s8] =	ssyncadd.s32 $0xFFFFEC00  }
0xb2: {  	[tilespmem:s25], [sflag:$0x1] =	stream.indirect.gather [hbm4b:s2+s29], $0x80, s18, s29, $0xb8;
	[tilespmem:$0x1F300] =	vst v63  }
0xb3: {  	_ =	swait.ge [sflag:s9], $0x1400  }
0xb4: {  	[sflag:s9] =	ssyncset.done $0x0  }
0xb5: {  	s18 =	sadd.s32 $0x27D0, s17;
	[sflag:s9] =	ssyncadd.s32 $0xFFFFEC00  }
0xb6: {  	[spmem:s3] =	stream.indirect.scatter.add.f32 [tilespmem:s1], [sflag:$0x8], $0x80, s18, s29, $0xb8;
	[tilespmem:$0x1F300] =	vst v63  }
0xb7: {  	_ =	swait.ge [sflag:s10], $0x1400  }
0xb8: {  	[sflag:s10] =	ssyncset.done $0x0  }
0xb9: {  	s18 =	sadd.s32 $0xF0, s17;
	[sflag:s10] =	ssyncadd.s32 $0xFFFFEC00  }
0xba: {  	[tilespmem:s30], [sflag:$0x2] =	stream.indirect.gather [hbm4b:s2+s29], $0x80, s18, s29, $0xb8;
	[tilespmem:$0x1F300] =	vst v63  }
0xbb: {  	_ =	swait.ge [sflag:s11], $0x1400  }
0xbc: {  	[sflag:s11] =	ssyncset.done $0x0  }
0xbd: {  	s18 =	sadd.s32 $0x27F8, s17;
	[sflag:s11] =	ssyncadd.s32 $0xFFFFEC00  }
0xbe: {  	[spmem:s3] =	stream.indirect.scatter.add.f32 [tilespmem:s31], [sflag:$0x9], $0x80, s18, s29, $0xb8;
	[tilespmem:$0x1F300] =	vst v63  }
0xbf: {  	_ =	swait.ge [sflag:s12], $0x1400  }
0xc0: {  	[sflag:s12] =	ssyncset.done $0x0  }
0xc1: {  	s18 =	sadd.s32 $0x118, s17;
	[sflag:s12] =	ssyncadd.s32 $0xFFFFEC00  }
0xc2: {  	[tilespmem:s1], [sflag:$0x3] =	stream.indirect.gather [hbm4b:s2+s29], $0x80, s18, s29, $0xb8;
	[tilespmem:$0x1F300] =	vst v63  }
0xc3: {  	_ =	swait.ge [sflag:s13], $0x1400  }
0xc4: {  	[sflag:s13] =	ssyncset.done $0x0  }
0xc5: {  	s18 =	sadd.s32 $0x2820, s17;
	[sflag:s13] =	ssyncadd.s32 $0xFFFFEC00  }
0xc6: {  	[spmem:s3] =	stream.indirect.scatter.add.f32 [tilespmem:s0], [sflag:$0xA], $0x80, s18, s29, $0xb8;
	[tilespmem:$0x1F300] =	vst v63  }
0xc7: {  	_ =	swait.ge [sflag:s14], $0x1400  }
0xc8: {  	[sflag:s14] =	ssyncset.done $0x0  }
0xc9: {  	s18 =	sadd.s32 $0x140, s17;
	[sflag:s14] =	ssyncadd.s32 $0xFFFFEC00  }
0xca: {  	[tilespmem:s31], [sflag:$0x4] =	stream.indirect.gather [hbm4b:s2+s29], $0x80, s18, s29, $0xb8;
	[tilespmem:$0x1F300] =	vst v63  }
0xcb: {  	_ =	swait.ge [sflag:s6], $0x1400  }
0xcc: {  	[sflag:s6] =	ssyncset.done $0x0  }
0xcd: {  	s18 =	sadd.s32 $0x2848, s17;
	[sflag:s6] =	ssyncadd.s32 $0xFFFFEC00  }
0xce: {  	[spmem:s3] =	stream.indirect.scatter.add.f32 [tilespmem:s25], [sflag:$0x6], $0x80, s18, s29, $0xb8;
	[tilespmem:$0x1F300] =	vst v63  }
0xcf: {  	_ =	swait.ge [sflag:s15], $0x1400  }
0xd0: {  	[sflag:s15] =	ssyncset.done $0x0  }
.Ltmp1:
0xd1: {  	s18 =	sadd.s32 $0x168, s17;
	[sflag:s15] =	ssyncadd.s32 $0xFFFFEC00;
	(pc) =	sbr.rel @p0 .LBB2_4-.Ltmp1, $4  }
0xd2: {  	[tilespmem:s0], [sflag:$0x5] =	stream.indirect.gather [hbm4b:s2+s29], $0x80, s18, s29, $0xb8;
	[tilespmem:$0x1F300] =	vst v63  }
0xd3: {  	_ =	swait.ge [sflag:s7], $0x1400  }
0xd4: {  	[sflag:s7] =	ssyncset.done $0x0  }
0xd5: {  	s17 =	sadd.s32 $0x2870, s17;
	[sflag:s7] =	ssyncadd.s32 $0xFFFFEC00  }
0xd6: {  	[spmem:s3] =	stream.indirect.scatter.add.f32 [tilespmem:s30], [sflag:$0x7], $0x80, s17, s29, $0xb8;
	[tilespmem:$0x1F300] =	vst v63  }
0xd7: {  	_ =	swait.ge [sflag:s9], $0x1400  }
0xd8: {  	[sflag:s9] =	ssyncset.done $0x0  }
0xd9: {  	s16 =	simm.s32 $0x4E18;
	[sflag:s9] =	ssyncadd.s32 $0xFFFFEC00  }
0xda: {  	[spmem:s3] =	stream.indirect.scatter.add.f32 [tilespmem:s1], [sflag:$0x8], $0x80, s16, s29, $0xb8;
	[tilespmem:$0x1F300] =	vst v63  }
0xdb: {  	_ =	swait.ge [sflag:s11], $0x1400  }
0xdc: {  	[sflag:s11] =	ssyncset.done $0x0  }
0xdd: {  	s17 =	simm.s32 $0x4E40;
	[sflag:s11] =	ssyncadd.s32 $0xFFFFEC00  }
0xde: {  	[spmem:s3] =	stream.indirect.scatter.add.f32 [tilespmem:s31], [sflag:$0x9], $0x80, s17, s29, $0xb8;
	[tilespmem:$0x1F300] =	vst v63  }
0xdf: {  	_ =	swait.ge [sflag:s13], $0x1400  }
0xe0: {  	[sflag:s13] =	ssyncset.done $0x0  }
0xe1: {  	s18 =	simm.s32 $0x4E68;
	[sflag:s13] =	ssyncadd.s32 $0xFFFFEC00  }
0xe2: {  	[spmem:s3] =	stream.indirect.scatter.add.f32 [tilespmem:s0], [sflag:$0xA], $0x80, s18, s29, $0xb8;
	[tilespmem:$0x1F300] =	vst v63  }
0xe3: {  	_ =	swait.ge [sflag:s8], $0x1400  }
0xe4: {  	[sflag:s8] =	ssyncset.done $0x0  }
0xe5: {  	[sflag:s8] =	ssyncadd.s32 $0xFFFFEC00  }
0xe6: {  	_ =	swait.ge [sflag:s10], $0x1400  }
0xe7: {  	[sflag:s10] =	ssyncset.done $0x0  }
0xe8: {  	[sflag:s10] =	ssyncadd.s32 $0xFFFFEC00  }
0xe9: {  	_ =	swait.ge [sflag:s12], $0x1400  }
0xea: {  	[sflag:s12] =	ssyncset.done $0x0  }
0xeb: {  	[sflag:s12] =	ssyncadd.s32 $0xFFFFEC00  }
0xec: {  	_ =	swait.ge [sflag:s14], $0x1400  }
0xed: {  	[sflag:s14] =	ssyncset.done $0x0  }
0xee: {  	[sflag:s14] =	ssyncadd.s32 $0xFFFFEC00  }
0xef: {  	s17 =	stileid.u32;
	_ =	swait.ge [sflag:s15], $0x1400  }
0xf0: {  	s4 =	sadd.s32 $0x1, s4;
	s16 =	sshll.u32 s17, $0x6;
	[sflag:s15] =	ssyncset.done $0x0  }
0xf1: {  	p0 =	sne.s32 s4, s24;
	s16 =	sor.u32 $0x1C0B, s16;
	[sflag:s15] =	ssyncadd.s32 $0xFFFFEC00  }
.Ltmp2:
0xf2: {  	s18 =	sshrl.u32 s5, $0x3;
	[bflag:$0x0] =	sbarrier.arrive $0xFFFF;
	(pc) =	sbr.rel @p0 .LBB2_1-.Ltmp2, $4  }
0xf3: {  	[hbm:s23], [sflag:s16] =	dma.local [spmem:s18], $0x2800  }
0xf4: {  	_ =	swait.ge [sflag:s26], $0x2800  }
0xf5: {  	[sflag:s26] =	ssyncset.done $0x0  }
0xf6: {  	[sflag:s26] =	ssyncadd.s32 $0xFFFFD800  }
0xf7: {  	_ =	sfence.sel $0x180000  }
0xf8: {  	[bflag:$0x0] =	sbarrier.arrive $0xFFFF  }
0xf9: {  	_ =	strace $0x9000004A  }
0xfa: {  	s0 =	stileid.u32;
	[bflag:$0x2] =	sbarrier.arrive $0xFFFF  }
0xfb: {  	p0 =	sne.s32 s0, $0x0;
	s0 =	rddreg [dreg:$0x3]  }
0xfc: {  	s0 =	sadd.s32 @!p0 $0x100000, s0  }
0xfd: {  	[sflag:s0] =	ssyncadd.tile.s32 @!p0 $0x1;
	_ =	shalt  }
.Lfunc_end2:
_tile_overlayer_lowered:
.L_overlay_start_2:
0xfe: {  	(tag) =	ssettag $0x2  }
0xff: {  	s0 =	rddreg [dreg:$0x0];
	s2 =	stileid.u32  }
0x100: {  	s1 =	rddreg [dreg:$0x1];
	p0 =	sne.s32 s2, $0x0  }
0x101: {  	s3 =	rddreg [dreg:$0x2];
	[bflag:$0x3] =	sbarrier.arrive $0xFFFF;
	s2 =	simm.s32 @!p0 $0x1C0B  }
0x102: {  	[timem:s3], [sflag:s2] =	dma.local @!p0 [hbm:s0], s1  }
0x103: {  	s0 =	simm.s32 @!p0 $0xB  }
0x104: {  	_ =	swait.ge @!p0 [sflag:s0], s1  }
0x105: {  	s1 =	ssub.s32 @!p0 $0x0, s1;
	[sflag:s0] =	ssyncset.done @!p0 $0x0  }
0x106: {  	[sflag:s0] =	ssyncadd.s32 @!p0 s1  }
0x107: {  	[bflag:$0x3] =	sbarrier.arrive $0xFFFF  }
0x108: {  	_ =	shalt  }

</sc_bundles>
